<compile_context>
chip_gen: v7x
topology: tpu7x:2x2x1
jax: 0.10.2.dev20260603
libtpu: 0.0.44.dev20260713+nightly
codegen_flags: <defaults>
</compile_context>

<pallas_src>
import functools

import jax
import jax.numpy as jnp
from jax import lax
from jax.experimental import pallas as pl
from jax.experimental.pallas import tpu as pltpu
from jax.experimental.pallas import tpu_sc as plsc

H = 768
F = 3072
NH = 12
HD = 64
E = 8
T = 196
TP = 224
B = 4
R = B * TP
SCALE = HD ** -0.5
SHARED_SCALE = 0.1
NEG = -1e30
BR = 128
RP = 1024
F32 = jnp.float32


def _ln(x, g, b):
    m = jnp.mean(x, axis=-1, keepdims=True)
    v = jnp.mean((x - m) ** 2, axis=-1, keepdims=True)
    return (x - m) / jnp.sqrt(v + 1e-6) * g + b



def _embed_body(p_ref, w_ref, b_ref, pos_ref, o_ref):
    x = p_ref[0]
    o_ref[0] = jnp.dot(x, w_ref[...], preferred_element_type=F32) + b_ref[...] + pos_ref[...]


def _embed(patches, w, b, pos_pad):
    return pl.pallas_call(
        _embed_body,
        grid=(B,),
        in_specs=[
            pl.BlockSpec((1, TP, H), lambda i: (i, 0, 0)),
            pl.BlockSpec((H, H), lambda i: (0, 0)),
            pl.BlockSpec((1, H), lambda i: (0, 0)),
            pl.BlockSpec((TP, H), lambda i: (0, 0)),
        ],
        out_specs=pl.BlockSpec((1, TP, H), lambda i: (i, 0, 0)),
        out_shape=jax.ShapeDtypeStruct((B, TP, H), F32),
    )(patches, w, b, pos_pad)



NC = 3
CH = H // NC


def _attn_body(x_ref, g_ref, b_ref, wq_ref, bq_ref, wk_ref, bk_ref,
               wv_ref, bv_ref, wo_ref, bo_ref, o_ref, hln_ref):
    c = pl.program_id(0)
    bi = pl.program_id(1)
    x = x_ref[bi]

    @pl.when(c == 0)
    def _():
        hln_ref[bi] = _ln(x, g_ref[...], b_ref[...])

    h = hln_ref[bi]
    q = jnp.dot(h, wq_ref[...], preferred_element_type=F32) + bq_ref[...]
    k = jnp.dot(h, wk_ref[...], preferred_element_type=F32) + bk_ref[...]
    v = jnp.dot(h, wv_ref[...], preferred_element_type=F32) + bv_ref[...]
    col = lax.broadcasted_iota(jnp.int32, (TP, TP), 1)
    kmask = col < T
    outs = []
    for hd in range(CH // HD):
        qh = q[:, hd * HD:(hd + 1) * HD]
        kh = k[:, hd * HD:(hd + 1) * HD]
        vh = v[:, hd * HD:(hd + 1) * HD]
        s = lax.dot_general(qh, kh, (((1,), (1,)), ((), ())),
                            preferred_element_type=F32) * SCALE
        s = jnp.where(kmask, s, NEG)
        m = jnp.max(s, axis=-1, keepdims=True)
        p = jnp.exp(s - m)
        p = p / jnp.sum(p, axis=-1, keepdims=True)
        outs.append(jnp.dot(p, vh, preferred_element_type=F32))
    oc = jnp.concatenate(outs, axis=1)
    contrib = jnp.dot(oc, wo_ref[...], preferred_element_type=F32)

    @pl.when(c == 0)
    def _():
        o_ref[bi] = x + bo_ref[...] + contrib

    @pl.when(c != 0)
    def _():
        o_ref[bi] = o_ref[bi] + contrib


def _attn(x, lp):
    return pl.pallas_call(
        _attn_body,
        grid=(NC, B),
        in_specs=[
            pl.BlockSpec((B, TP, H), lambda c, b: (0, 0, 0)),
            pl.BlockSpec((1, H), lambda c, b: (0, 0)),
            pl.BlockSpec((1, H), lambda c, b: (0, 0)),
            pl.BlockSpec((H, CH), lambda c, b: (0, c)),
            pl.BlockSpec((1, CH), lambda c, b: (0, c)),
            pl.BlockSpec((H, CH), lambda c, b: (0, c)),
            pl.BlockSpec((1, CH), lambda c, b: (0, c)),
            pl.BlockSpec((H, CH), lambda c, b: (0, c)),
            pl.BlockSpec((1, CH), lambda c, b: (0, c)),
            pl.BlockSpec((CH, H), lambda c, b: (c, 0)),
            pl.BlockSpec((1, H), lambda c, b: (0, 0)),
        ],
        out_specs=pl.BlockSpec((B, TP, H), lambda c, b: (0, 0, 0)),
        out_shape=jax.ShapeDtypeStruct((B, TP, H), F32),
        scratch_shapes=[pltpu.VMEM((B, TP, H), F32)],
    )(x, lp['ln1_g'].reshape(1, H), lp['ln1_b'].reshape(1, H),
      lp['wq'], lp['bq'].reshape(1, H), lp['wk'], lp['bk'].reshape(1, H),
      lp['wv'], lp['bv'].reshape(1, H), lp['wo'], lp['bo'].reshape(1, H))



NF = 4
FCH = F // NF


def _ffn_body(x_ref, g_ref, b_ref, w1_ref, b1_ref, w2_ref, b2_ref, o_ref, h_ref):
    f = pl.program_id(0)

    @pl.when(f == 0)
    def _():
        h_ref[...] = _ln(x_ref[...], g_ref[...], b_ref[...])

    t = jax.nn.gelu(jnp.dot(h_ref[...], w1_ref[...], preferred_element_type=F32)
                    + b1_ref[...])
    y = jnp.dot(t, w2_ref[...], preferred_element_type=F32)

    @pl.when(f == 0)
    def _():
        o_ref[...] = x_ref[...] + b2_ref[...] + y

    @pl.when(f != 0)
    def _():
        o_ref[...] = o_ref[...] + y


def _dense_ffn(xf, lp):
    return pl.pallas_call(
        _ffn_body,
        grid=(NF,),
        in_specs=[
            pl.BlockSpec((R, H), lambda f: (0, 0)),
            pl.BlockSpec((1, H), lambda f: (0, 0)),
            pl.BlockSpec((1, H), lambda f: (0, 0)),
            pl.BlockSpec((H, FCH), lambda f: (0, f)),
            pl.BlockSpec((1, FCH), lambda f: (0, f)),
            pl.BlockSpec((FCH, H), lambda f: (f, 0)),
            pl.BlockSpec((1, H), lambda f: (0, 0)),
        ],
        out_specs=pl.BlockSpec((R, H), lambda f: (0, 0)),
        out_shape=jax.ShapeDtypeStruct((R, H), F32),
        scratch_shapes=[pltpu.VMEM((R, H), F32)],
    )(xf, lp['ln2_g'].reshape(1, H), lp['ln2_b'].reshape(1, H),
      lp['w1'], lp['b1'].reshape(1, F), lp['w2'], lp['b2'].reshape(1, H))



NL_D = 10
NS = B + NF


def _block_body(x0_ref, g1_ref, bt1_ref, wq_ref, bq_ref, wk_ref, bk_ref,
                wv_ref, bv_ref, wo_ref, bo_ref, g2_ref, bt2_ref,
                w1_ref, b1_ref, w2_ref, b2_ref, out_ref, mid_ref,
                y_ref, h_ref):
    l = pl.program_id(0)
    s = pl.program_id(1)

    @pl.when((l == 0) & (s == 0))
    def _():
        out_ref[...] = x0_ref[...]

    @pl.when((l == NL_D - 1) & (s == 0))
    def _():
        mid_ref[...] = out_ref[...]

    @pl.when(s < B)
    def _():
        rows = pl.ds(s * TP, TP)
        x = out_ref[rows, :]
        h = _ln(x, g1_ref[0], bt1_ref[0])
        q = jnp.dot(h, wq_ref[0], preferred_element_type=F32) + bq_ref[0]
        k = jnp.dot(h, wk_ref[0], preferred_element_type=F32) + bk_ref[0]
        v = jnp.dot(h, wv_ref[0], preferred_element_type=F32) + bv_ref[0]
        col = lax.broadcasted_iota(jnp.int32, (TP, TP), 1)
        kmask = col < T
        outs = []
        for hd in range(NH):
            qh = q[:, hd * HD:(hd + 1) * HD]
            kh = k[:, hd * HD:(hd + 1) * HD]
            vh = v[:, hd * HD:(hd + 1) * HD]
            sc = lax.dot_general(qh, kh, (((1,), (1,)), ((), ())),
                                 preferred_element_type=F32) * SCALE
            sc = jnp.where(kmask, sc, NEG)
            m = jnp.max(sc, axis=-1, keepdims=True)
            pr = jnp.exp(sc - m)
            den = jnp.sum(pr, axis=-1, keepdims=True)
            oh = jnp.dot(pr, vh, preferred_element_type=F32) / den
            outs.append(oh)
        o = jnp.concatenate(outs, axis=1)
        y_ref[rows, :] = x + jnp.dot(o, wo_ref[0], preferred_element_type=F32) + bo_ref[0]

    @pl.when(s >= B)
    def _():
        f = s - B

        @pl.when(f == 0)
        def _():
            h_ref[...] = _ln(y_ref[...], g2_ref[0], bt2_ref[0])

        t = jax.nn.gelu(jnp.dot(h_ref[...], w1_ref[0], preferred_element_type=F32)
                        + b1_ref[0])
        y = jnp.dot(t, w2_ref[0], preferred_element_type=F32)

        @pl.when(f == 0)
        def _():
            out_ref[...] = y_ref[...] + b2_ref[0] + y

        @pl.when(f != 0)
        def _():
            out_ref[...] = out_ref[...] + y


def _dense_block(x0, layers):
    def st(name):
        return jnp.stack([lp[name] for lp in layers])

    def stb(name, n):
        return jnp.stack([lp[name].reshape(1, n) for lp in layers])

    lmap = lambda l, s: (l, 0, 0)
    f1map = lambda l, s: (l, 0, jnp.maximum(s - B, 0))
    f2map = lambda l, s: (l, jnp.maximum(s - B, 0), 0)
    return pl.pallas_call(
        _block_body,
        grid=(NL_D, NS),
        in_specs=[
            pl.BlockSpec((R, H), lambda l, s: (0, 0)),
            pl.BlockSpec((1, 1, H), lmap),
            pl.BlockSpec((1, 1, H), lmap),
            pl.BlockSpec((1, H, H), lmap),
            pl.BlockSpec((1, 1, H), lmap),
            pl.BlockSpec((1, H, H), lmap),
            pl.BlockSpec((1, 1, H), lmap),
            pl.BlockSpec((1, H, H), lmap),
            pl.BlockSpec((1, 1, H), lmap),
            pl.BlockSpec((1, H, H), lmap),
            pl.BlockSpec((1, 1, H), lmap),
            pl.BlockSpec((1, 1, H), lmap),
            pl.BlockSpec((1, 1, H), lmap),
            pl.BlockSpec((1, H, FCH), f1map),
            pl.BlockSpec((1, 1, FCH), f1map),
            pl.BlockSpec((1, FCH, H), f2map),
            pl.BlockSpec((1, 1, H), lmap),
        ],
        out_specs=[
            pl.BlockSpec((R, H), lambda l, s: (0, 0)),
            pl.BlockSpec((R, H), lambda l, s: (0, 0)),
        ],
        out_shape=[
            jax.ShapeDtypeStruct((R, H), F32),
            jax.ShapeDtypeStruct((R, H), F32),
        ],
        scratch_shapes=[pltpu.VMEM((R, H), F32), pltpu.VMEM((R, H), F32)],
    )(x0, stb('ln1_g', H), stb('ln1_b', H), st('wq'), stb('bq', H),
      st('wk'), stb('bk', H), st('wv'), stb('bv', H), st('wo'), stb('bo', H),
      stb('ln2_g', H), stb('ln2_b', H), st('w1'), stb('b1', F), st('w2'),
      stb('b2', H))



def _layer_body(x_ref, g1_ref, bt1_ref, wq_ref, bq_ref, wk_ref, bk_ref,
                wv_ref, bv_ref, wo_ref, bo_ref, g2_ref, bt2_ref,
                w1_ref, b1_ref, w2_ref, b2_ref, out_ref, y_ref, h_ref):
    s = pl.program_id(0)

    @pl.when(s < B)
    def _():
        rows = pl.ds(s * TP, TP)
        x = x_ref[rows, :]
        h = _ln(x, g1_ref[...], bt1_ref[...])
        q = jnp.dot(h, wq_ref[...], preferred_element_type=F32) + bq_ref[...]
        k = jnp.dot(h, wk_ref[...], preferred_element_type=F32) + bk_ref[...]
        v = jnp.dot(h, wv_ref[...], preferred_element_type=F32) + bv_ref[...]
        col = lax.broadcasted_iota(jnp.int32, (TP, TP), 1)
        kmask = col < T
        outs = []
        for hd in range(NH):
            qh = q[:, hd * HD:(hd + 1) * HD]
            kh = k[:, hd * HD:(hd + 1) * HD]
            vh = v[:, hd * HD:(hd + 1) * HD]
            sc = lax.dot_general(qh, kh, (((1,), (1,)), ((), ())),
                                 preferred_element_type=F32) * SCALE
            sc = jnp.where(kmask, sc, NEG)
            m = jnp.max(sc, axis=-1, keepdims=True)
            pr = jnp.exp(sc - m)
            den = jnp.sum(pr, axis=-1, keepdims=True)
            outs.append(jnp.dot(pr, vh, preferred_element_type=F32) / den)
        o = jnp.concatenate(outs, axis=1)
        y_ref[rows, :] = x + jnp.dot(o, wo_ref[...], preferred_element_type=F32) + bo_ref[...]

    @pl.when(s >= B)
    def _():
        f = s - B

        @pl.when(f == 0)
        def _():
            h_ref[...] = _ln(y_ref[...], g2_ref[...], bt2_ref[...])

        t = jax.nn.gelu(jnp.dot(h_ref[...], w1_ref[...], preferred_element_type=F32)
                        + b1_ref[...])
        y = jnp.dot(t, w2_ref[...], preferred_element_type=F32)

        @pl.when(f == 0)
        def _():
            out_ref[...] = y_ref[...] + b2_ref[...] + y

        @pl.when(f != 0)
        def _():
            out_ref[...] = out_ref[...] + y


def _dense_layer(xf, lp):
    cm2 = lambda s: (0, 0)
    f1m = lambda s: (0, jnp.maximum(s - B, 0))
    f2m = lambda s: (jnp.maximum(s - B, 0), 0)
    return pl.pallas_call(
        _layer_body,
        grid=(NS,),
        in_specs=[
            pl.BlockSpec((R, H), cm2),
            pl.BlockSpec((1, H), cm2),
            pl.BlockSpec((1, H), cm2),
            pl.BlockSpec((H, H), cm2),
            pl.BlockSpec((1, H), cm2),
            pl.BlockSpec((H, H), cm2),
            pl.BlockSpec((1, H), cm2),
            pl.BlockSpec((H, H), cm2),
            pl.BlockSpec((1, H), cm2),
            pl.BlockSpec((H, H), cm2),
            pl.BlockSpec((1, H), cm2),
            pl.BlockSpec((1, H), cm2),
            pl.BlockSpec((1, H), cm2),
            pl.BlockSpec((H, FCH), f1m),
            pl.BlockSpec((1, FCH), f1m),
            pl.BlockSpec((FCH, H), f2m),
            pl.BlockSpec((1, H), cm2),
        ],
        out_specs=pl.BlockSpec((R, H), cm2),
        out_shape=jax.ShapeDtypeStruct((R, H), F32),
        scratch_shapes=[pltpu.VMEM((R, H), F32), pltpu.VMEM((R, H), F32)],
    )(xf, lp['ln1_g'].reshape(1, H), lp['ln1_b'].reshape(1, H),
      lp['wq'], lp['bq'].reshape(1, H), lp['wk'], lp['bk'].reshape(1, H),
      lp['wv'], lp['bv'].reshape(1, H), lp['wo'], lp['bo'].reshape(1, H),
      lp['ln2_g'].reshape(1, H), lp['ln2_b'].reshape(1, H),
      lp['w1'], lp['b1'].reshape(1, F), lp['w2'], lp['b2'].reshape(1, H))



_SCI = plsc.get_sparse_core_info()
_NWK = _SCI.num_cores * _SCI.num_subcores
_GB = RP // _NWK


def _sc_gather_rows(table, idx):
    mesh = plsc.VectorSubcoreMesh(core_axis_name="c", subcore_axis_name="s")

    @functools.partial(
        pl.kernel,
        mesh=mesh,
        out_type=jax.ShapeDtypeStruct((RP, H), jnp.float32),
        scratch_types=[
            pltpu.VMEM((_GB,), jnp.int32),
            pltpu.VMEM((_GB, H), jnp.float32),
            pltpu.SemaphoreType.DMA,
        ],
    )
    def k(table_hbm, idx_hbm, out_hbm, idx_v, rows_v, sem):
        wid = lax.axis_index("s") * _SCI.num_cores + lax.axis_index("c")
        base = wid * _GB
        pltpu.sync_copy(idx_hbm.at[pl.ds(base, _GB)], idx_v)
        pltpu.async_copy(table_hbm.at[idx_v], rows_v, sem).wait()
        pltpu.sync_copy(rows_v, out_hbm.at[pl.ds(base, _GB)])

    return k(table, idx)



def _combine2_body(x_ref, gate_ref, eo_ref, sh_ref, o_ref):
    o_ref[...] = (x_ref[...] + gate_ref[...] * eo_ref[...]
                  + SHARED_SCALE * sh_ref[...])


def _combine2(xf, gate, eo_perm, shared):
    return pl.pallas_call(
        _combine2_body,
        grid=(1,),
        in_specs=[
            pl.BlockSpec((R, H), lambda i: (0, 0)),
            pl.BlockSpec((R, 1), lambda i: (0, 0)),
            pl.BlockSpec((R, H), lambda i: (0, 0)),
            pl.BlockSpec((R, H), lambda i: (0, 0)),
        ],
        out_specs=pl.BlockSpec((R, H), lambda i: (0, 0)),
        out_shape=jax.ShapeDtypeStruct((R, H), F32),
    )(xf, gate, eo_perm, shared)



def _router_body(x_ref, g_ref, b_ref, wr_ref, hln_ref, order_ref, pos_ref,
                 gate_ref, offs_ref):
    x = x_ref[...]
    h = _ln(x, g_ref[...], b_ref[...])
    hln_ref[...] = h
    logits = jnp.dot(h, wr_ref[...], preferred_element_type=F32)
    ecol = lax.broadcasted_iota(jnp.int32, (R, 128), 1)
    valid = ecol < E
    logits = jnp.where(valid, logits, NEG)
    m = jnp.max(logits, axis=-1, keepdims=True)
    expm = jnp.where(valid, jnp.exp(logits - m), 0.0)
    gate_ref[...] = 1.0 / jnp.sum(expm, axis=-1, keepdims=True)
    ismax = logits >= m
    idx = jnp.min(jnp.where(ismax, ecol, 127), axis=-1, keepdims=True)
    onehot = (ecol == idx).astype(F32)
    ri = lax.broadcasted_iota(jnp.int32, (R, R), 0)
    ci = lax.broadcasted_iota(jnp.int32, (R, R), 1)
    ltri = (ri > ci).astype(F32)
    rank = jnp.dot(ltri, onehot, preferred_element_type=F32)
    counts = jnp.sum(onehot, axis=0, keepdims=True)
    ur = lax.broadcasted_iota(jnp.int32, (128, 128), 0)
    uc = lax.broadcasted_iota(jnp.int32, (128, 128), 1)
    utri = (ur < uc).astype(F32)
    offs = jnp.dot(counts, utri, preferred_element_type=F32)
    offs_ref[...] = offs.astype(jnp.int32)
    posf = jnp.sum(onehot * (offs + rank), axis=-1, keepdims=True)
    posi = posf.astype(jnp.int32)
    pos_ref[...] = posi
    si = lax.broadcasted_iota(jnp.int32, (R, R), 1)
    perm = (posi == si).astype(F32)
    ii = lax.broadcasted_iota(jnp.int32, (R, R), 0)
    permi = (posi == si).astype(jnp.int32)
    order_ref[...] = jnp.sum(permi * ii, axis=0, keepdims=True)


def _router(xf, lp):
    return pl.pallas_call(
        _router_body,
        grid=(1,),
        in_specs=[
            pl.BlockSpec((R, H), lambda i: (0, 0)),
            pl.BlockSpec((1, H), lambda i: (0, 0)),
            pl.BlockSpec((1, H), lambda i: (0, 0)),
            pl.BlockSpec((H, 128), lambda i: (0, 0)),
        ],
        out_specs=[
            pl.BlockSpec((R, H), lambda i: (0, 0)),
            pl.BlockSpec((1, R), lambda i: (0, 0)),
            pl.BlockSpec((R, 1), lambda i: (0, 0)),
            pl.BlockSpec((R, 1), lambda i: (0, 0)),
            pl.BlockSpec((1, 128), lambda i: (0, 0)),
        ],
        out_shape=[
            jax.ShapeDtypeStruct((R, H), F32),
            jax.ShapeDtypeStruct((1, R), jnp.int32),
            jax.ShapeDtypeStruct((R, 1), jnp.int32),
            jax.ShapeDtypeStruct((R, 1), F32),
            jax.ShapeDtypeStruct((1, 128), jnp.int32),
        ],
    )(xf, lp['ln2_g'].reshape(1, H), lp['ln2_b'].reshape(1, H),
      jnp.pad(lp['wr'], ((0, 0), (0, 128 - E))))



FC = F // 2


def _moe_ffn_body(offs_ref, xs_ref, w1_ref, b1_ref, w2_ref, b2_ref, o_ref):
    e = pl.program_id(0)
    fc = pl.program_id(1)
    start = offs_ref[0, e]
    end = offs_ref[0, e + 1]
    start_al = (start // 8) * 8
    nblk = (end - start_al + BR - 1) // BR
    w1 = w1_ref[0]
    b1 = b1_ref[0]
    w2 = w2_ref[0]
    b2 = b2_ref[0]

    def body(j, _):
        r0 = start_al + j * BR
        xb = xs_ref[pl.ds(r0, BR), :]
        t = jax.nn.gelu(jnp.dot(xb, w1, preferred_element_type=F32) + b1)
        yb = jnp.dot(t, w2, preferred_element_type=F32)
        prev = o_ref[pl.ds(r0, BR), :]
        yb = jnp.where(fc == 0, yb + b2, yb + prev)
        rows = r0 + lax.broadcasted_iota(jnp.int32, (BR, H), 0)
        msk = (rows >= start) & (rows < end)
        o_ref[pl.ds(r0, BR), :] = jnp.where(msk, yb, prev)
        return 0

    lax.fori_loop(0, nblk, body, 0)


def _moe_ffn(xs, offs, lp):
    return pl.pallas_call(
        _moe_ffn_body,
        grid=(E, 2),
        in_specs=[
            pl.BlockSpec(memory_space=pltpu.SMEM),
            pl.BlockSpec((RP, H), lambda e, f: (0, 0)),
            pl.BlockSpec((1, H, FC), lambda e, f: (e, 0, f)),
            pl.BlockSpec((1, 1, FC), lambda e, f: (e, 0, f)),
            pl.BlockSpec((1, FC, H), lambda e, f: (e, f, 0)),
            pl.BlockSpec((1, 1, H), lambda e, f: (e, 0, 0)),
        ],
        out_specs=pl.BlockSpec((RP, H), lambda e, f: (0, 0)),
        out_shape=jax.ShapeDtypeStruct((RP, H), F32),
    )(offs, xs, lp['ew1'], lp['eb1'].reshape(E, 1, F), lp['ew2'],
      lp['eb2'].reshape(E, 1, H))



def _sffn_body(h_ref, w1_ref, b1_ref, w2_ref, b2_ref, o_ref):
    f = pl.program_id(0)
    t = jax.nn.gelu(jnp.dot(h_ref[...], w1_ref[...], preferred_element_type=F32)
                    + b1_ref[...])
    y = jnp.dot(t, w2_ref[...], preferred_element_type=F32)

    @pl.when(f == 0)
    def _():
        o_ref[...] = b2_ref[...] + y

    @pl.when(f != 0)
    def _():
        o_ref[...] = o_ref[...] + y


def _shared_ffn(hln, lp):
    return pl.pallas_call(
        _sffn_body,
        grid=(NF,),
        in_specs=[
            pl.BlockSpec((R, H), lambda f: (0, 0)),
            pl.BlockSpec((H, FCH), lambda f: (0, f)),
            pl.BlockSpec((1, FCH), lambda f: (0, f)),
            pl.BlockSpec((FCH, H), lambda f: (f, 0)),
            pl.BlockSpec((1, H), lambda f: (0, 0)),
        ],
        out_specs=pl.BlockSpec((R, H), lambda f: (0, 0)),
        out_shape=jax.ShapeDtypeStruct((R, H), F32),
    )(hln, lp['sw1'], lp['sb1'].reshape(1, F), lp['sw2'], lp['sb2'].reshape(1, H))



def _combine_body(x_ref, pos_ref, gate_ref, eo_ref, sh_ref, o_ref):
    posi = pos_ref[...]
    si = lax.broadcasted_iota(jnp.int32, (R, R), 1)
    perm = (posi == si).astype(F32)
    y = jnp.dot(perm, eo_ref[...], preferred_element_type=F32)
    o_ref[...] = x_ref[...] + gate_ref[...] * y + SHARED_SCALE * sh_ref[...]


def _combine(xf, pos, gate, eo, shared):
    return pl.pallas_call(
        _combine_body,
        grid=(1,),
        in_specs=[
            pl.BlockSpec((R, H), lambda i: (0, 0)),
            pl.BlockSpec((R, 1), lambda i: (0, 0)),
            pl.BlockSpec((R, 1), lambda i: (0, 0)),
            pl.BlockSpec((R, H), lambda i: (0, 0)),
            pl.BlockSpec((R, H), lambda i: (0, 0)),
        ],
        out_specs=pl.BlockSpec((R, H), lambda i: (0, 0)),
        out_shape=jax.ShapeDtypeStruct((R, H), F32),
    )(xf, pos, gate, eo, shared)



def _final_body(x_ref, g_ref, b_ref, last_ref, cls_ref):
    x = x_ref[0]
    l = _ln(x, g_ref[...], b_ref[...])
    last_ref[0] = l
    rows = lax.broadcasted_iota(jnp.int32, (TP, H), 0)
    lz = jnp.where(rows < T, l, 0.0)
    cls_ref[0] = jnp.sum(lz, axis=0, keepdims=True) * (1.0 / T)


def _final(x, g, b):
    return pl.pallas_call(
        _final_body,
        grid=(B,),
        in_specs=[
            pl.BlockSpec((1, TP, H), lambda i: (i, 0, 0)),
            pl.BlockSpec((1, H), lambda i: (0, 0)),
            pl.BlockSpec((1, H), lambda i: (0, 0)),
        ],
        out_specs=[
            pl.BlockSpec((1, TP, H), lambda i: (i, 0, 0)),
            pl.BlockSpec((1, 1, H), lambda i: (i, 0, 0)),
        ],
        out_shape=[
            jax.ShapeDtypeStruct((B, TP, H), F32),
            jax.ShapeDtypeStruct((B, 1, H), F32),
        ],
    )(x, g.reshape(1, H), b.reshape(1, H))



def kernel(pixel_values, params):
    p = params
    x = pixel_values.reshape(B, 3, 14, 16, 14, 16)
    x = x.transpose(0, 2, 4, 1, 3, 5).reshape(B, T, 3 * 16 * 16)
    patches = jnp.pad(x, ((0, 0), (0, TP - T), (0, 0)))
    pos_pad = jnp.pad(p['pos'], ((0, TP - T), (0, 0)))
    x = _embed(patches, p['patch_w'], p['patch_b'].reshape(1, H), pos_pad)
    xf = x.reshape(R, H)
    mid = None
    for i, lp in enumerate(p['layers'][:NL_D]):
        xf = _dense_layer(xf, lp)
        if i == 8:
            mid = xf.reshape(B, TP, H)
    x = xf.reshape(B, TP, H)
    for lp in p['layers'][NL_D:]:
        x = _attn(x, lp)
        xf = x.reshape(R, H)
        hln, order, pos, gate, offs = _router(xf, lp)
        order_pad = jnp.pad(order.reshape(R), (0, RP - R))
        xs = _sc_gather_rows(hln, order_pad)
        shared = _shared_ffn(hln, lp)
        eo = _moe_ffn(xs, offs, lp)
        xf = _combine(xf, pos, gate, eo[:R], shared)
        x = xf.reshape(B, TP, H)
    last_pad, cls = _final(x, p['fln_g'], p['fln_b'])
    last = last_pad[:, :T]
    midv = mid[:, :T]
    return last, midv, cls.reshape(B, H)

# --- scband reference (transcript-rebuilt; emitter-appended) ---
"""Pipeline reference for scband-siglip-vision-with-mo-e-29592324669898 (READ-ONLY COPY).

The authoritative reference and input builder live on the scoring server;
editing this copy changes nothing except your own understanding.
"""

import jax, jax.numpy as jnp
import numpy as np

HIDDEN = 768
FFN = 3072
LAYERS = 12
HEADS = 12
HEAD_DIM = 64
EXPERTS = 8
MOE_LAYERS = (10, 11)
PATCH = 16
GRID = 14
TOKENS = GRID * GRID
BATCH = 4
SHARED_SCALE = 0.1


def setup_inputs(seed: int = 0):
    key = jax.random.key(seed)
    pixel_values = jax.random.normal(jax.random.fold_in(key, 0), (BATCH, 3, 224, 224), dtype=jnp.float32)
    c = [1]
    def nw(shape):
        c[0] += 1
        return jax.random.normal(jax.random.fold_in(key, c[0]), shape, dtype=jnp.float32) * 0.02
    params = {
        'patch_w': nw((3 * PATCH * PATCH, HIDDEN)),
        'patch_b': jnp.zeros((HIDDEN,), jnp.float32),
        'pos': nw((TOKENS, HIDDEN)),
        'fln_g': jnp.ones((HIDDEN,), jnp.float32),
        'fln_b': jnp.zeros((HIDDEN,), jnp.float32),
        'layers': [],
    }
    for i in range(LAYERS):
        lp = {
            'ln1_g': jnp.ones((HIDDEN,), jnp.float32), 'ln1_b': jnp.zeros((HIDDEN,), jnp.float32),
            'wq': nw((HIDDEN, HIDDEN)), 'bq': jnp.zeros((HIDDEN,), jnp.float32),
            'wk': nw((HIDDEN, HIDDEN)), 'bk': jnp.zeros((HIDDEN,), jnp.float32),
            'wv': nw((HIDDEN, HIDDEN)), 'bv': jnp.zeros((HIDDEN,), jnp.float32),
            'wo': nw((HIDDEN, HIDDEN)), 'bo': jnp.zeros((HIDDEN,), jnp.float32),
            'ln2_g': jnp.ones((HIDDEN,), jnp.float32), 'ln2_b': jnp.zeros((HIDDEN,), jnp.float32),
        }
        if i in MOE_LAYERS:
            lp['wr'] = nw((HIDDEN, EXPERTS))
            lp['ew1'] = nw((EXPERTS, HIDDEN, FFN))
            lp['eb1'] = jnp.zeros((EXPERTS, FFN), jnp.float32)
            lp['ew2'] = nw((EXPERTS, FFN, HIDDEN))
            lp['eb2'] = jnp.zeros((EXPERTS, HIDDEN), jnp.float32)
            lp['sw1'] = nw((HIDDEN, FFN))
            lp['sb1'] = jnp.zeros((FFN,), jnp.float32)
            lp['sw2'] = nw((FFN, HIDDEN))
            lp['sb2'] = jnp.zeros((HIDDEN,), jnp.float32)
        else:
            lp['w1'] = nw((HIDDEN, FFN))
            lp['b1'] = jnp.zeros((FFN,), jnp.float32)
            lp['w2'] = nw((FFN, HIDDEN))
            lp['b2'] = jnp.zeros((HIDDEN,), jnp.float32)
        params['layers'].append(lp)
    return {'pixel_values': pixel_values, 'params': params}


def _layer_norm(x, g, b):
    m = jnp.mean(x, axis=-1, keepdims=True)
    v = jnp.mean((x - m) ** 2, axis=-1, keepdims=True)
    return (x - m) / jnp.sqrt(v + 1e-6) * g + b


def _forward(pixel_values, params):
    B = pixel_values.shape[0]
    x = pixel_values.reshape(B, 3, GRID, PATCH, GRID, PATCH)
    x = x.transpose(0, 2, 4, 1, 3, 5).reshape(B, TOKENS, 3 * PATCH * PATCH)
    x = x @ params['patch_w'] + params['patch_b'] + params['pos'][None]
    hs = [x]
    for lp in params['layers']:
        r = x
        h = _layer_norm(x, lp['ln1_g'], lp['ln1_b'])
        q = (h @ lp['wq'] + lp['bq']).reshape(B, TOKENS, HEADS, HEAD_DIM).transpose(0, 2, 1, 3)
        k = (h @ lp['wk'] + lp['bk']).reshape(B, TOKENS, HEADS, HEAD_DIM).transpose(0, 2, 1, 3)
        v = (h @ lp['wv'] + lp['bv']).reshape(B, TOKENS, HEADS, HEAD_DIM).transpose(0, 2, 1, 3)
        s = jnp.einsum('bhqd,bhkd->bhqk', q, k) * (HEAD_DIM ** -0.5)
        a = jax.nn.softmax(s, axis=-1)
        o = jnp.einsum('bhqk,bhkd->bhqd', a, v).transpose(0, 2, 1, 3).reshape(B, TOKENS, HIDDEN)
        x = r + (o @ lp['wo'] + lp['bo'])
        r = x
        h = _layer_norm(x, lp['ln2_g'], lp['ln2_b'])
        if 'wr' in lp:
            logits = h @ lp['wr']
            probs = jax.nn.softmax(logits, axis=-1)
            gate = jnp.max(probs, axis=-1)
            idx = jnp.argmax(probs, axis=-1)
            onehot = jax.nn.one_hot(idx, EXPERTS, dtype=h.dtype)
            combine = onehot * gate[..., None]
            eh = jax.nn.gelu(jnp.einsum('btd,edf->btef', h, lp['ew1']) + lp['eb1'])
            eo = jnp.einsum('btef,efd->bted', eh, lp['ew2']) + lp['eb2']
            moe_out = jnp.einsum('bted,bte->btd', eo, combine)
            shared = jax.nn.gelu(h @ lp['sw1'] + lp['sb1']) @ lp['sw2'] + lp['sb2']
            ffn = moe_out + SHARED_SCALE * shared
        else:
            ffn = jax.nn.gelu(h @ lp['w1'] + lp['b1']) @ lp['w2'] + lp['b2']
        x = r + ffn
        hs.append(x)
    last = _layer_norm(x, params['fln_g'], params['fln_b'])
    mid = hs[-4]
    cls = jnp.mean(last, axis=1)
    return last, mid, cls


def reference(pixel_values, params):
    return _forward(pixel_values, params)

if __name__ == "__main__":
    import jax
    _d = setup_inputs()
    print(jax.jit(kernel)(*tuple(_d.values())))

</pallas_src>

<mosaic_0001>
#map = affine_map<(d0, d1) -> (0, 0)>
#map1 = affine_map<(d0, d1) -> (0)>
module attributes {stable_mosaic.version = 14 : i64} {
  func.func @k(%arg0: i32, %arg1: i32, %arg2: memref<896x768xf32, #tpu.memory_space<hbm>>, %arg3: memref<1024xi32, #tpu.memory_space<hbm>>, %arg4: memref<1024x768xf32, #tpu.memory_space<hbm>>, %arg5: memref<32xi32, #tpu.memory_space<vmem>>, %arg6: memref<32x768xf32, #tpu.memory_space<vmem>>, %arg7: memref<!tpu.dma_semaphore, #tpu.memory_space<semaphore_mem>>) attributes {dimension_semantics = [#tpu.dimension_semantics<core_parallel>, #tpu.dimension_semantics<subcore_parallel>], iteration_bounds = array<i64: 2, 16>, scalar_prefetch = 0 : i64, scratch_operands = 3 : i64, tpu.core_type = #tpu.core_type<sc_vector_subcore>, window_params = [{transform_indices = #map}, {transform_indices = #map1}, {transform_indices = #map}]} {
    %mul3A = arith.constant 2 : i32
    %mul3A_0 = arith.muli %arg1, %mul3A : i32
    %add3A = arith.addi %mul3A_0, %arg0 : i32
    %mul3A_1 = arith.constant 32 : i32
    %mul3A_2 = arith.muli %add3A, %mul3A_1 : i32
    "tpu.region"() ({
      %run_scoped3A = tpu.sem_alloc : memref<!tpu.dma_semaphore, #tpu.memory_space<semaphore_mem>>
      %dma_start3A_7 = tpu.memref_slice %arg3[%mul3A_2] : memref<1024xi32, #tpu.memory_space<hbm>> -> memref<32xi32, #tpu.memory_space<hbm>>
      %dma_start3A_8 = tpu.memref_slice %arg3[%mul3A_2] : memref<1024xi32, #tpu.memory_space<hbm>> -> memref<32xi32, #tpu.memory_space<hbm>>
      tpu.enqueue_dma source(%dma_start3A_8 : memref<32xi32, #tpu.memory_space<hbm>>) target(%arg5 : memref<32xi32, #tpu.memory_space<vmem>>) target_semaphore(%run_scoped3A : memref<!tpu.dma_semaphore, #tpu.memory_space<semaphore_mem>>)
      %dma_wait3A_9 = tpu.memref_slice %arg3[%mul3A_2] : memref<1024xi32, #tpu.memory_space<hbm>> -> memref<32xi32, #tpu.memory_space<hbm>>
      %dma_wait3A_10 = tpu.memref_slice %arg3[%mul3A_2] : memref<1024xi32, #tpu.memory_space<hbm>> -> memref<32xi32, #tpu.memory_space<hbm>>
      tpu.wait_dma2 semaphore(%run_scoped3A : memref<!tpu.dma_semaphore, #tpu.memory_space<semaphore_mem>>) src(%dma_wait3A_10 : memref<32xi32, #tpu.memory_space<hbm>>) dst(%arg5 : memref<32xi32, #tpu.memory_space<vmem>>)
      tpu.yield
    }) : () -> ()
    %dma_start3A = arith.constant 0 : i32
    %dma_start3A_3 = arith.constant 0 : i32
    %dma_start3A_4 = tpu.memref_slice %arg2[%dma_start3A, %dma_start3A_3] : memref<896x768xf32, #tpu.memory_space<hbm>> -> memref<896x768xf32, #tpu.memory_space<hbm>>
    tpu.enqueue_indirect_dma source(%dma_start3A_4 : memref<896x768xf32, #tpu.memory_space<hbm>>) target(%arg6 : memref<32x768xf32, #tpu.memory_space<vmem>>) offsets(%arg5 : memref<32xi32, #tpu.memory_space<vmem>>) semaphore(%arg7 : memref<!tpu.dma_semaphore, #tpu.memory_space<semaphore_mem>>)
    %dma_wait3A = arith.constant 0 : i32
    %dma_wait3A_5 = arith.constant 0 : i32
    %dma_wait3A_6 = tpu.memref_slice %arg2[%dma_wait3A, %dma_wait3A_5] : memref<896x768xf32, #tpu.memory_space<hbm>> -> memref<896x768xf32, #tpu.memory_space<hbm>>
    tpu.wait_indirect_dma semaphore(%arg7 : memref<!tpu.dma_semaphore, #tpu.memory_space<semaphore_mem>>) src(%dma_wait3A_6 : memref<896x768xf32, #tpu.memory_space<hbm>>) dst(%arg6 : memref<32x768xf32, #tpu.memory_space<vmem>>)
    "tpu.region"() ({
      %run_scoped3A = tpu.sem_alloc : memref<!tpu.dma_semaphore, #tpu.memory_space<semaphore_mem>>
      %dma_start3A_7 = arith.constant 0 : i32
      %dma_start3A_8 = tpu.memref_slice %arg4[%mul3A_2, %dma_start3A_7] : memref<1024x768xf32, #tpu.memory_space<hbm>> -> memref<32x768xf32, #tpu.memory_space<hbm>>
      %dma_start3A_9 = arith.constant 0 : i32
      %dma_start3A_10 = tpu.memref_slice %arg4[%mul3A_2, %dma_start3A_9] : memref<1024x768xf32, #tpu.memory_space<hbm>> -> memref<32x768xf32, #tpu.memory_space<hbm>>
      tpu.enqueue_dma source(%arg6 : memref<32x768xf32, #tpu.memory_space<vmem>>) target(%dma_start3A_10 : memref<32x768xf32, #tpu.memory_space<hbm>>) target_semaphore(%run_scoped3A : memref<!tpu.dma_semaphore, #tpu.memory_space<semaphore_mem>>)
      %dma_wait3A_11 = arith.constant 0 : i32
      %dma_wait3A_12 = tpu.memref_slice %arg4[%mul3A_2, %dma_wait3A_11] : memref<1024x768xf32, #tpu.memory_space<hbm>> -> memref<32x768xf32, #tpu.memory_space<hbm>>
      %dma_wait3A_13 = arith.constant 0 : i32
      %dma_wait3A_14 = tpu.memref_slice %arg4[%mul3A_2, %dma_wait3A_13] : memref<1024x768xf32, #tpu.memory_space<hbm>> -> memref<32x768xf32, #tpu.memory_space<hbm>>
      tpu.wait_dma2 semaphore(%run_scoped3A : memref<!tpu.dma_semaphore, #tpu.memory_space<semaphore_mem>>) src(%arg6 : memref<32x768xf32, #tpu.memory_space<vmem>>) dst(%dma_wait3A_14 : memref<32x768xf32, #tpu.memory_space<hbm>>)
      tpu.yield
    }) : () -> ()
    return
  }
}

#map = affine_map<(d0, d1) -> (0, 0)>
#map1 = affine_map<(d0, d1) -> (0)>
module attributes {stable_mosaic.version = 14 : i64} {
  func.func @k(%arg0: i32, %arg1: i32, %arg2: memref<896x768xf32, #tpu.memory_space<hbm>>, %arg3: memref<1024xi32, #tpu.memory_space<hbm>>, %arg4: memref<1024x768xf32, #tpu.memory_space<hbm>>, %arg5: memref<32xi32, #tpu.memory_space<vmem>>, %arg6: memref<32x768xf32, #tpu.memory_space<vmem>>, %arg7: memref<!tpu.dma_semaphore, #tpu.memory_space<semaphore_mem>>) attributes {dimension_semantics = [#tpu.dimension_semantics<core_parallel>, #tpu.dimension_semantics<subcore_parallel>], iteration_bounds = array<i64: 2, 16>, scalar_prefetch = 0 : i64, scratch_operands = 3 : i64, tpu.core_type = #tpu.core_type<sc_vector_subcore>, window_params = [{transform_indices = #map}, {transform_indices = #map1}, {transform_indices = #map}]} {
    %mul3A = arith.constant 2 : i32
    %mul3A_0 = arith.muli %arg1, %mul3A : i32
    %add3A = arith.addi %mul3A_0, %arg0 : i32
    %mul3A_1 = arith.constant 32 : i32
    %mul3A_2 = arith.muli %add3A, %mul3A_1 : i32
    "tpu.region"() ({
      %run_scoped3A = tpu.sem_alloc : memref<!tpu.dma_semaphore, #tpu.memory_space<semaphore_mem>>
      %dma_start3A_7 = tpu.memref_slice %arg3[%mul3A_2] : memref<1024xi32, #tpu.memory_space<hbm>> -> memref<32xi32, #tpu.memory_space<hbm>>
      %dma_start3A_8 = tpu.memref_slice %arg3[%mul3A_2] : memref<1024xi32, #tpu.memory_space<hbm>> -> memref<32xi32, #tpu.memory_space<hbm>>
      tpu.enqueue_dma source(%dma_start3A_8 : memref<32xi32, #tpu.memory_space<hbm>>) target(%arg5 : memref<32xi32, #tpu.memory_space<vmem>>) target_semaphore(%run_scoped3A : memref<!tpu.dma_semaphore, #tpu.memory_space<semaphore_mem>>)
      %dma_wait3A_9 = tpu.memref_slice %arg3[%mul3A_2] : memref<1024xi32, #tpu.memory_space<hbm>> -> memref<32xi32, #tpu.memory_space<hbm>>
      %dma_wait3A_10 = tpu.memref_slice %arg3[%mul3A_2] : memref<1024xi32, #tpu.memory_space<hbm>> -> memref<32xi32, #tpu.memory_space<hbm>>
      tpu.wait_dma2 semaphore(%run_scoped3A : memref<!tpu.dma_semaphore, #tpu.memory_space<semaphore_mem>>) src(%dma_wait3A_10 : memref<32xi32, #tpu.memory_space<hbm>>) dst(%arg5 : memref<32xi32, #tpu.memory_space<vmem>>)
      tpu.yield
    }) : () -> ()
    %dma_start3A = arith.constant 0 : i32
    %dma_start3A_3 = arith.constant 0 : i32
    %dma_start3A_4 = tpu.memref_slice %arg2[%dma_start3A, %dma_start3A_3] : memref<896x768xf32, #tpu.memory_space<hbm>> -> memref<896x768xf32, #tpu.memory_space<hbm>>
    tpu.enqueue_indirect_dma source(%dma_start3A_4 : memref<896x768xf32, #tpu.memory_space<hbm>>) target(%arg6 : memref<32x768xf32, #tpu.memory_space<vmem>>) offsets(%arg5 : memref<32xi32, #tpu.memory_space<vmem>>) semaphore(%arg7 : memref<!tpu.dma_semaphore, #tpu.memory_space<semaphore_mem>>)
    %dma_wait3A = arith.constant 0 : i32
    %dma_wait3A_5 = arith.constant 0 : i32
    %dma_wait3A_6 = tpu.memref_slice %arg2[%dma_wait3A, %dma_wait3A_5] : memref<896x768xf32, #tpu.memory_space<hbm>> -> memref<896x768xf32, #tpu.memory_space<hbm>>
    tpu.wait_indirect_dma semaphore(%arg7 : memref<!tpu.dma_semaphore, #tpu.memory_space<semaphore_mem>>) src(%dma_wait3A_6 : memref<896x768xf32, #tpu.memory_space<hbm>>) dst(%arg6 : memref<32x768xf32, #tpu.memory_space<vmem>>)
    "tpu.region"() ({
      %run_scoped3A = tpu.sem_alloc : memref<!tpu.dma_semaphore, #tpu.memory_space<semaphore_mem>>
      %dma_start3A_7 = arith.constant 0 : i32
      %dma_start3A_8 = tpu.memref_slice %arg4[%mul3A_2, %dma_start3A_7] : memref<1024x768xf32, #tpu.memory_space<hbm>> -> memref<32x768xf32, #tpu.memory_space<hbm>>
      %dma_start3A_9 = arith.constant 0 : i32
      %dma_start3A_10 = tpu.memref_slice %arg4[%mul3A_2, %dma_start3A_9] : memref<1024x768xf32, #tpu.memory_space<hbm>> -> memref<32x768xf32, #tpu.memory_space<hbm>>
      tpu.enqueue_dma source(%arg6 : memref<32x768xf32, #tpu.memory_space<vmem>>) target(%dma_start3A_10 : memref<32x768xf32, #tpu.memory_space<hbm>>) target_semaphore(%run_scoped3A : memref<!tpu.dma_semaphore, #tpu.memory_space<semaphore_mem>>)
      %dma_wait3A_11 = arith.constant 0 : i32
      %dma_wait3A_12 = tpu.memref_slice %arg4[%mul3A_2, %dma_wait3A_11] : memref<1024x768xf32, #tpu.memory_space<hbm>> -> memref<32x768xf32, #tpu.memory_space<hbm>>
      %dma_wait3A_13 = arith.constant 0 : i32
      %dma_wait3A_14 = tpu.memref_slice %arg4[%mul3A_2, %dma_wait3A_13] : memref<1024x768xf32, #tpu.memory_space<hbm>> -> memref<32x768xf32, #tpu.memory_space<hbm>>
      tpu.wait_dma2 semaphore(%run_scoped3A : memref<!tpu.dma_semaphore, #tpu.memory_space<semaphore_mem>>) src(%arg6 : memref<32x768xf32, #tpu.memory_space<vmem>>) dst(%dma_wait3A_14 : memref<32x768xf32, #tpu.memory_space<hbm>>)
      tpu.yield
    }) : () -> ()
    return
  }
}

module attributes {stable_mosaic.version = 14 : i64} {
  func.func @_embed_body(%arg0: i32, %arg1: memref<1x224x768xf32, #tpu.memory_space<vmem>>, %arg2: memref<768x768xf32, #tpu.memory_space<vmem>>, %arg3: memref<1x768xf32, #tpu.memory_space<vmem>>, %arg4: memref<224x768xf32, #tpu.memory_space<vmem>>, %arg5: memref<1x224x768xf32, #tpu.memory_space<vmem>>) attributes {dimension_semantics = [#tpu.dimension_semantics<arbitrary>], iteration_bounds = array<i64: 4>, scalar_prefetch = 0 : i64, scratch_operands = 0 : i64, tpu.core_type = #tpu.core_type<tc>, window_params = [{transform_indices = @transform_0, window_bounds = array<i64: 1, 224, 768>}, {pipeline_mode = #tpu.pipeline_mode<synchronous>, transform_indices = @transform_1, window_bounds = array<i64: 768, 768>}, {pipeline_mode = #tpu.pipeline_mode<synchronous>, transform_indices = @transform_2, window_bounds = array<i64: 1, 768>}, {pipeline_mode = #tpu.pipeline_mode<synchronous>, transform_indices = @transform_3, window_bounds = array<i64: 224, 768>}, {transform_indices = @transform_4, window_bounds = array<i64: 1, 224, 768>}]} {
    %get3A = arith.constant 0 : index
    %get3A_0 = arith.constant 0 : index
    %get3A_1 = arith.constant 0 : index
    %get3A_2 = vector.load %arg1[%get3A, %get3A_0, %get3A_1] : memref<1x224x768xf32, #tpu.memory_space<vmem>>, vector<1x224x768xf32>
    %get3A_3 = vector.shape_cast %get3A_2 : vector<1x224x768xf32> to vector<224x768xf32>
    %get3A_4 = arith.constant 0 : index
    %get3A_5 = arith.constant 0 : index
    %get3A_6 = vector.load %arg2[%get3A_4, %get3A_5] : memref<768x768xf32, #tpu.memory_space<vmem>>, vector<768x768xf32>
    %dot_general3A = arith.constant dense<0.000000e+00> : vector<224x768xf32>
    %dot_general3A_7 = tpu.matmul %get3A_3, %get3A_6, %dot_general3A {dimension_numbers = #tpu.dot_dimension_numbers<[1], [0], [0], [1], [0, 0, 1, 1], [], []>, transpose_lhs_hint = false} : vector<224x768xf32>, vector<768x768xf32>, vector<224x768xf32> -> vector<224x768xf32>
    %get3A_8 = arith.constant 0 : index
    %get3A_9 = arith.constant 0 : index
    %get3A_10 = vector.load %arg3[%get3A_8, %get3A_9] : memref<1x768xf32, #tpu.memory_space<vmem>>, vector<1x768xf32>
    %add3A = vector.broadcast %get3A_10 : vector<1x768xf32> to vector<224x768xf32>
    %add3A_11 = arith.addf %dot_general3A_7, %add3A : vector<224x768xf32>
    %get3A_12 = arith.constant 0 : index
    %get3A_13 = arith.constant 0 : index
    %get3A_14 = vector.load %arg4[%get3A_12, %get3A_13] : memref<224x768xf32, #tpu.memory_space<vmem>>, vector<224x768xf32>
    %add3A_15 = arith.addf %add3A_11, %get3A_14 : vector<224x768xf32>
    %swap3A = arith.constant 0 : index
    %swap3A_16 = arith.constant 0 : index
    %swap3A_17 = arith.constant 0 : index
    %swap3A_18 = vector.load %arg5[%swap3A, %swap3A_16, %swap3A_17] : memref<1x224x768xf32, #tpu.memory_space<vmem>>, vector<1x224x768xf32>
    %swap3A_19 = vector.shape_cast %swap3A_18 : vector<1x224x768xf32> to vector<224x768xf32>
    %swap3A_20 = vector.shape_cast %add3A_15 : vector<224x768xf32> to vector<1x224x768xf32>
    tpu.vector_store %arg5[%swap3A, %swap3A_16, %swap3A_17], %swap3A_20 {strides = array<i32>} : memref<1x224x768xf32, #tpu.memory_space<vmem>>, vector<1x224x768xf32>,
    return
  }
  func.func @transform_0(%arg0: i32) -> (i32, i32, i32) {
    %c0_i32 = arith.constant 0 : i32
    %c0_i32_0 = arith.constant 0 : i32
    %c0_i32_1 = arith.constant 0 : i32
    return %arg0, %c0_i32, %c0_i32_0 : i32, i32, i32
  }
  func.func @transform_1(%arg0: i32) -> (i32, i32) {
    %c0_i32 = arith.constant 0 : i32
    %c0_i32_0 = arith.constant 0 : i32
    %c0_i32_1 = arith.constant 0 : i32
    return %c0_i32, %c0_i32_0 : i32, i32
  }
  func.func @transform_2(%arg0: i32) -> (i32, i32) {
    %c0_i32 = arith.constant 0 : i32
    %c0_i32_0 = arith.constant 0 : i32
    %c0_i32_1 = arith.constant 0 : i32
    return %c0_i32, %c0_i32_0 : i32, i32
  }
  func.func @transform_3(%arg0: i32) -> (i32, i32) {
    %c0_i32 = arith.constant 0 : i32
    %c0_i32_0 = arith.constant 0 : i32
    %c0_i32_1 = arith.constant 0 : i32
    return %c0_i32, %c0_i32_0 : i32, i32
  }
  func.func @transform_4(%arg0: i32) -> (i32, i32, i32) {
    %c0_i32 = arith.constant 0 : i32
    %c0_i32_0 = arith.constant 0 : i32
    %c0_i32_1 = arith.constant 0 : i32
    return %arg0, %c0_i32, %c0_i32_0 : i32, i32, i32
  }
}

module attributes {stable_mosaic.version = 14 : i64} {
  func.func @_layer_body(%arg0: i32, %arg1: memref<896x768xf32, #tpu.memory_space<vmem>>, %arg2: memref<1x768xf32, #tpu.memory_space<vmem>>, %arg3: memref<1x768xf32, #tpu.memory_space<vmem>>, %arg4: memref<768x768xf32, #tpu.memory_space<vmem>>, %arg5: memref<1x768xf32, #tpu.memory_space<vmem>>, %arg6: memref<768x768xf32, #tpu.memory_space<vmem>>, %arg7: memref<1x768xf32, #tpu.memory_space<vmem>>, %arg8: memref<768x768xf32, #tpu.memory_space<vmem>>, %arg9: memref<1x768xf32, #tpu.memory_space<vmem>>, %arg10: memref<768x768xf32, #tpu.memory_space<vmem>>, %arg11: memref<1x768xf32, #tpu.memory_space<vmem>>, %arg12: memref<1x768xf32, #tpu.memory_space<vmem>>, %arg13: memref<1x768xf32, #tpu.memory_space<vmem>>, %arg14: memref<768x768xf32, #tpu.memory_space<vmem>>, %arg15: memref<1x768xf32, #tpu.memory_space<vmem>>, %arg16: memref<768x768xf32, #tpu.memory_space<vmem>>, %arg17: memref<1x768xf32, #tpu.memory_space<vmem>>, %arg18: memref<896x768xf32, #tpu.memory_space<vmem>>, %arg19: memref<896x768xf32, #tpu.memory_space<vmem>>, %arg20: memref<896x768xf32, #tpu.memory_space<vmem>>) attributes {dimension_semantics = [#tpu.dimension_semantics<arbitrary>], iteration_bounds = array<i64: 8>, scalar_prefetch = 0 : i64, scratch_operands = 2 : i64, tpu.core_type = #tpu.core_type<tc>, window_params = [{pipeline_mode = #tpu.pipeline_mode<synchronous>, transform_indices = @transform_0, window_bounds = array<i64: 896, 768>}, {pipeline_mode = #tpu.pipeline_mode<synchronous>, transform_indices = @transform_1, window_bounds = array<i64: 1, 768>}, {pipeline_mode = #tpu.pipeline_mode<synchronous>, transform_indices = @transform_2, window_bounds = array<i64: 1, 768>}, {pipeline_mode = #tpu.pipeline_mode<synchronous>, transform_indices = @transform_3, window_bounds = array<i64: 768, 768>}, {pipeline_mode = #tpu.pipeline_mode<synchronous>, transform_indices = @transform_4, window_bounds = array<i64: 1, 768>}, {pipeline_mode = #tpu.pipeline_mode<synchronous>, transform_indices = @transform_5, window_bounds = array<i64: 768, 768>}, {pipeline_mode = #tpu.pipeline_mode<synchronous>, transform_indices = @transform_6, window_bounds = array<i64: 1, 768>}, {pipeline_mode = #tpu.pipeline_mode<synchronous>, transform_indices = @transform_7, window_bounds = array<i64: 768, 768>}, {pipeline_mode = #tpu.pipeline_mode<synchronous>, transform_indices = @transform_8, window_bounds = array<i64: 1, 768>}, {pipeline_mode = #tpu.pipeline_mode<synchronous>, transform_indices = @transform_9, window_bounds = array<i64: 768, 768>}, {pipeline_mode = #tpu.pipeline_mode<synchronous>, transform_indices = @transform_10, window_bounds = array<i64: 1, 768>}, {pipeline_mode = #tpu.pipeline_mode<synchronous>, transform_indices = @transform_11, window_bounds = array<i64: 1, 768>}, {pipeline_mode = #tpu.pipeline_mode<synchronous>, transform_indices = @transform_12, window_bounds = array<i64: 1, 768>}, {transform_indices = @transform_13, window_bounds = array<i64: 768, 768>}, {transform_indices = @transform_14, window_bounds = array<i64: 1, 768>}, {transform_indices = @transform_15, window_bounds = array<i64: 768, 768>}, {pipeline_mode = #tpu.pipeline_mode<synchronous>, transform_indices = @transform_16, window_bounds = array<i64: 1, 768>}, {pipeline_mode = #tpu.pipeline_mode<synchronous>, transform_indices = @transform_17, window_bounds = array<i64: 896, 768>}]} {
    %lt3A = arith.constant 4 : i32
    %lt3A_0 = arith.cmpi slt, %arg0, %lt3A : i32
    %convert_element_type3A = arith.extui %lt3A_0 : i1 to i32
    %cond3A = arith.constant 0 : i32
    %cond3A_1 = arith.cmpi ne, %convert_element_type3A, %cond3A : i32
    scf.if %cond3A_1 {
      %mul3A = arith.constant 224 : i32
      %mul3A_6 = arith.muli %arg0, %mul3A : i32
      %get3A = arith.index_cast %mul3A_6 : i32 to index
      %get3A_7 = arith.constant 0 : index
      %get3A_8 = vector.load %arg1[%get3A, %get3A_7] : memref<896x768xf32, #tpu.memory_space<vmem>>, vector<224x768xf32>
      %get3A_9 = arith.constant 0 : index
      %get3A_10 = arith.constant 0 : index
      %get3A_11 = vector.load %arg2[%get3A_9, %get3A_10] : memref<1x768xf32, #tpu.memory_space<vmem>>, vector<1x768xf32>
      %get3A_12 = arith.constant 0 : index
      %get3A_13 = arith.constant 0 : index
      %get3A_14 = vector.load %arg3[%get3A_12, %get3A_13] : memref<1x768xf32, #tpu.memory_space<vmem>>, vector<1x768xf32>
      %reduce_sum3A = arith.constant dense<0.000000e+00> : vector<224xf32>
      %reduce_sum3A_15 = vector.multi_reduction <add>, %get3A_8, %reduce_sum3A [1] : vector<224x768xf32> to vector<224xf32>
      %broadcast_in_dim3A = vector.shape_cast %reduce_sum3A_15 : vector<224xf32> to vector<224x1xf32>
      %div3A = arith.constant 7.680000e+02 : f32
      %div3A_16 = vector.broadcast %div3A : f32 to vector<224x1xf32>
      %div3A_17 = arith.divf %broadcast_in_dim3A, %div3A_16 : vector<224x1xf32>
      %sub3A = vector.broadcast %div3A_17 : vector<224x1xf32> to vector<224x768xf32>
      %sub3A_18 = arith.subf %get3A_8, %sub3A : vector<224x768xf32>
      %integer_pow3A = arith.mulf %sub3A_18, %sub3A_18 : vector<224x768xf32>
      %reduce_sum3A_19 = arith.constant dense<0.000000e+00> : vector<224xf32>
      %reduce_sum3A_20 = vector.multi_reduction <add>, %integer_pow3A, %reduce_sum3A_19 [1] : vector<224x768xf32> to vector<224xf32>
      %broadcast_in_dim3A_21 = vector.shape_cast %reduce_sum3A_20 : vector<224xf32> to vector<224x1xf32>
      %div3A_22 = arith.constant 7.680000e+02 : f32
      %div3A_23 = vector.broadcast %div3A_22 : f32 to vector<224x1xf32>
      %div3A_24 = arith.divf %broadcast_in_dim3A_21, %div3A_23 : vector<224x1xf32>
      %sub3A_25 = vector.broadcast %div3A_17 : vector<224x1xf32> to vector<224x768xf32>
      %sub3A_26 = arith.subf %get3A_8, %sub3A_25 : vector<224x768xf32>
      %add3A = arith.constant 9.99999997E-7 : f32
      %add3A_27 = vector.broadcast %add3A : f32 to vector<224x1xf32>
      %add3A_28 = arith.addf %div3A_24, %add3A_27 : vector<224x1xf32>
      %sqrt3A = math.sqrt %add3A_28 : vector<224x1xf32>
      %div3A_29 = vector.broadcast %sqrt3A : vector<224x1xf32> to vector<224x768xf32>
      %div3A_30 = arith.divf %sub3A_26, %div3A_29 : vector<224x768xf32>
      %mul3A_31 = vector.broadcast %get3A_11 : vector<1x768xf32> to vector<224x768xf32>
      %mul3A_32 = arith.mulf %div3A_30, %mul3A_31 : vector<224x768xf32>
      %add3A_33 = vector.broadcast %get3A_14 : vector<1x768xf32> to vector<224x768xf32>
      %add3A_34 = arith.addf %mul3A_32, %add3A_33 : vector<224x768xf32>
      %get3A_35 = arith.constant 0 : index
      %get3A_36 = arith.constant 0 : index
      %get3A_37 = vector.load %arg4[%get3A_35, %get3A_36] : memref<768x768xf32, #tpu.memory_space<vmem>>, vector<768x768xf32>
      %dot_general3A = arith.constant dense<0.000000e+00> : vector<224x768xf32>
      %dot_general3A_38 = tpu.matmul %add3A_34, %get3A_37, %dot_general3A {dimension_numbers = #tpu.dot_dimension_numbers<[1], [0], [0], [1], [0, 0, 1, 1], [], []>, transpose_lhs_hint = false} : vector<224x768xf32>, vector<768x768xf32>, vector<224x768xf32> -> vector<224x768xf32>
      %get3A_39 = arith.constant 0 : index
      %get3A_40 = arith.constant 0 : index
      %get3A_41 = vector.load %arg5[%get3A_39, %get3A_40] : memref<1x768xf32, #tpu.memory_space<vmem>>, vector<1x768xf32>
      %add3A_42 = vector.broadcast %get3A_41 : vector<1x768xf32> to vector<224x768xf32>
      %add3A_43 = arith.addf %dot_general3A_38, %add3A_42 : vector<224x768xf32>
      %get3A_44 = arith.constant 0 : index
      %get3A_45 = arith.constant 0 : index
      %get3A_46 = vector.load %arg6[%get3A_44, %get3A_45] : memref<768x768xf32, #tpu.memory_space<vmem>>, vector<768x768xf32>
      %dot_general3A_47 = arith.constant dense<0.000000e+00> : vector<224x768xf32>
      %dot_general3A_48 = tpu.matmul %add3A_34, %get3A_46, %dot_general3A_47 {dimension_numbers = #tpu.dot_dimension_numbers<[1], [0], [0], [1], [0, 0, 1, 1], [], []>, transpose_lhs_hint = false} : vector<224x768xf32>, vector<768x768xf32>, vector<224x768xf32> -> vector<224x768xf32>
      %get3A_49 = arith.constant 0 : index
      %get3A_50 = arith.constant 0 : index
      %get3A_51 = vector.load %arg7[%get3A_49, %get3A_50] : memref<1x768xf32, #tpu.memory_space<vmem>>, vector<1x768xf32>
      %add3A_52 = vector.broadcast %get3A_51 : vector<1x768xf32> to vector<224x768xf32>
      %add3A_53 = arith.addf %dot_general3A_48, %add3A_52 : vector<224x768xf32>
      %get3A_54 = arith.constant 0 : index
      %get3A_55 = arith.constant 0 : index
      %get3A_56 = vector.load %arg8[%get3A_54, %get3A_55] : memref<768x768xf32, #tpu.memory_space<vmem>>, vector<768x768xf32>
      %dot_general3A_57 = arith.constant dense<0.000000e+00> : vector<224x768xf32>
      %dot_general3A_58 = tpu.matmul %add3A_34, %get3A_56, %dot_general3A_57 {dimension_numbers = #tpu.dot_dimension_numbers<[1], [0], [0], [1], [0, 0, 1, 1], [], []>, transpose_lhs_hint = false} : vector<224x768xf32>, vector<768x768xf32>, vector<224x768xf32> -> vector<224x768xf32>
      %get3A_59 = arith.constant 0 : index
      %get3A_60 = arith.constant 0 : index
      %get3A_61 = vector.load %arg9[%get3A_59, %get3A_60] : memref<1x768xf32, #tpu.memory_space<vmem>>, vector<1x768xf32>
      %add3A_62 = vector.broadcast %get3A_61 : vector<1x768xf32> to vector<224x768xf32>
      %add3A_63 = arith.addf %dot_general3A_58, %add3A_62 : vector<224x768xf32>
      %iota3A = tpu.iota {dimensions = array<i32: 1>} : vector<224x224xi32>
      %lt3A_64 = arith.constant 196 : i32
      %lt3A_65 = vector.broadcast %lt3A_64 : i32 to vector<224x224xi32>
      %lt3A_66 = arith.cmpi slt, %iota3A, %lt3A_65 : vector<224x224xi32>
      %slice3A = vector.extract_strided_slice %add3A_43 {offsets = [0, 0], sizes = [224, 64], strides = [1, 1]} : vector<224x768xf32> to vector<224x64xf32>
      %slice3A_67 = vector.extract_strided_slice %add3A_53 {offsets = [0, 0], sizes = [224, 64], strides = [1, 1]} : vector<224x768xf32> to vector<224x64xf32>
      %slice3A_68 = vector.extract_strided_slice %add3A_63 {offsets = [0, 0], sizes = [224, 64], strides = [1, 1]} : vector<224x768xf32> to vector<224x64xf32>
      %dot_general3A_69 = arith.constant dense<0.000000e+00> : vector<224x224xf32>
      %dot_general3A_70 = tpu.matmul %slice3A, %slice3A_67, %dot_general3A_69 {dimension_numbers = #tpu.dot_dimension_numbers<[1], [1], [0], [0], [0, 0, 1, 0], [], []>, transpose_lhs_hint = false} : vector<224x64xf32>, vector<224x64xf32>, vector<224x224xf32> -> vector<224x224xf32>
      %mul3A_71 = arith.constant 1.250000e-01 : f32
      %mul3A_72 = vector.broadcast %mul3A_71 : f32 to vector<224x224xf32>
      %mul3A_73 = arith.mulf %dot_general3A_70, %mul3A_72 : vector<224x224xf32>
      %jit3A = arith.constant -1.000000e+30 : f32
      %broadcast_in_dim3A_74 = vector.broadcast %jit3A : f32 to vector<224x224xf32>
      %select_n3A = arith.select %lt3A_66, %mul3A_73, %broadcast_in_dim3A_74 : vector<224x224xi1>, vector<224x224xf32>
      %reduce_max3A = arith.constant dense<0xFF800000> : vector<224xf32>
      %reduce_max3A_75 = vector.multi_reduction <maximumf>, %select_n3A, %reduce_max3A [1] : vector<224x224xf32> to vector<224xf32>
      %broadcast_in_dim3A_76 = vector.shape_cast %reduce_max3A_75 : vector<224xf32> to vector<224x1xf32>
      %sub3A_77 = vector.broadcast %broadcast_in_dim3A_76 : vector<224x1xf32> to vector<224x224xf32>
      %sub3A_78 = arith.subf %select_n3A, %sub3A_77 : vector<224x224xf32>
      %exp3A = math.exp %sub3A_78 : vector<224x224xf32>
      %reduce_sum3A_79 = arith.constant dense<0.000000e+00> : vector<224xf32>
      %reduce_sum3A_80 = vector.multi_reduction <add>, %exp3A, %reduce_sum3A_79 [1] : vector<224x224xf32> to vector<224xf32>
      %broadcast_in_dim3A_81 = vector.shape_cast %reduce_sum3A_80 : vector<224xf32> to vector<224x1xf32>
      %dot_general3A_82 = arith.constant dense<0.000000e+00> : vector<224x64xf32>
      %dot_general3A_83 = tpu.matmul %exp3A, %slice3A_68, %dot_general3A_82 {dimension_numbers = #tpu.dot_dimension_numbers<[1], [0], [0], [1], [0, 0, 1, 1], [], []>, transpose_lhs_hint = false} : vector<224x224xf32>, vector<224x64xf32>, vector<224x64xf32> -> vector<224x64xf32>
      %div3A_84 = vector.broadcast %broadcast_in_dim3A_81 : vector<224x1xf32> to vector<224x64xf32>
      %div3A_85 = arith.divf %dot_general3A_83, %div3A_84 : vector<224x64xf32>
      %slice3A_86 = vector.extract_strided_slice %add3A_43 {offsets = [0, 64], sizes = [224, 64], strides = [1, 1]} : vector<224x768xf32> to vector<224x64xf32>
      %slice3A_87 = vector.extract_strided_slice %add3A_53 {offsets = [0, 64], sizes = [224, 64], strides = [1, 1]} : vector<224x768xf32> to vector<224x64xf32>
      %slice3A_88 = vector.extract_strided_slice %add3A_63 {offsets = [0, 64], sizes = [224, 64], strides = [1, 1]} : vector<224x768xf32> to vector<224x64xf32>
      %dot_general3A_89 = arith.constant dense<0.000000e+00> : vector<224x224xf32>
      %dot_general3A_90 = tpu.matmul %slice3A_86, %slice3A_87, %dot_general3A_89 {dimension_numbers = #tpu.dot_dimension_numbers<[1], [1], [0], [0], [0, 0, 1, 0], [], []>, transpose_lhs_hint = false} : vector<224x64xf32>, vector<224x64xf32>, vector<224x224xf32> -> vector<224x224xf32>
      %mul3A_91 = arith.constant 1.250000e-01 : f32
      %mul3A_92 = vector.broadcast %mul3A_91 : f32 to vector<224x224xf32>
      %mul3A_93 = arith.mulf %dot_general3A_90, %mul3A_92 : vector<224x224xf32>
      %jit3A_94 = arith.constant -1.000000e+30 : f32
      %broadcast_in_dim3A_95 = vector.broadcast %jit3A_94 : f32 to vector<224x224xf32>
      %select_n3A_96 = arith.select %lt3A_66, %mul3A_93, %broadcast_in_dim3A_95 : vector<224x224xi1>, vector<224x224xf32>
      %reduce_max3A_97 = arith.constant dense<0xFF800000> : vector<224xf32>
      %reduce_max3A_98 = vector.multi_reduction <maximumf>, %select_n3A_96, %reduce_max3A_97 [1] : vector<224x224xf32> to vector<224xf32>
      %broadcast_in_dim3A_99 = vector.shape_cast %reduce_max3A_98 : vector<224xf32> to vector<224x1xf32>
      %sub3A_100 = vector.broadcast %broadcast_in_dim3A_99 : vector<224x1xf32> to vector<224x224xf32>
      %sub3A_101 = arith.subf %select_n3A_96, %sub3A_100 : vector<224x224xf32>
      %exp3A_102 = math.exp %sub3A_101 : vector<224x224xf32>
      %reduce_sum3A_103 = arith.constant dense<0.000000e+00> : vector<224xf32>
      %reduce_sum3A_104 = vector.multi_reduction <add>, %exp3A_102, %reduce_sum3A_103 [1] : vector<224x224xf32> to vector<224xf32>
      %broadcast_in_dim3A_105 = vector.shape_cast %reduce_sum3A_104 : vector<224xf32> to vector<224x1xf32>
      %dot_general3A_106 = arith.constant dense<0.000000e+00> : vector<224x64xf32>
      %dot_general3A_107 = tpu.matmul %exp3A_102, %slice3A_88, %dot_general3A_106 {dimension_numbers = #tpu.dot_dimension_numbers<[1], [0], [0], [1], [0, 0, 1, 1], [], []>, transpose_lhs_hint = false} : vector<224x224xf32>, vector<224x64xf32>, vector<224x64xf32> -> vector<224x64xf32>
      %div3A_108 = vector.broadcast %broadcast_in_dim3A_105 : vector<224x1xf32> to vector<224x64xf32>
      %div3A_109 = arith.divf %dot_general3A_107, %div3A_108 : vector<224x64xf32>
      %slice3A_110 = vector.extract_strided_slice %add3A_43 {offsets = [0, 128], sizes = [224, 64], strides = [1, 1]} : vector<224x768xf32> to vector<224x64xf32>
      %slice3A_111 = vector.extract_strided_slice %add3A_53 {offsets = [0, 128], sizes = [224, 64], strides = [1, 1]} : vector<224x768xf32> to vector<224x64xf32>
      %slice3A_112 = vector.extract_strided_slice %add3A_63 {offsets = [0, 128], sizes = [224, 64], strides = [1, 1]} : vector<224x768xf32> to vector<224x64xf32>
      %dot_general3A_113 = arith.constant dense<0.000000e+00> : vector<224x224xf32>
      %dot_general3A_114 = tpu.matmul %slice3A_110, %slice3A_111, %dot_general3A_113 {dimension_numbers = #tpu.dot_dimension_numbers<[1], [1], [0], [0], [0, 0, 1, 0], [], []>, transpose_lhs_hint = false} : vector<224x64xf32>, vector<224x64xf32>, vector<224x224xf32> -> vector<224x224xf32>
      %mul3A_115 = arith.constant 1.250000e-01 : f32
      %mul3A_116 = vector.broadcast %mul3A_115 : f32 to vector<224x224xf32>
      %mul3A_117 = arith.mulf %dot_general3A_114, %mul3A_116 : vector<224x224xf32>
      %jit3A_118 = arith.constant -1.000000e+30 : f32
      %broadcast_in_dim3A_119 = vector.broadcast %jit3A_118 : f32 to vector<224x224xf32>
      %select_n3A_120 = arith.select %lt3A_66, %mul3A_117, %broadcast_in_dim3A_119 : vector<224x224xi1>, vector<224x224xf32>
      %reduce_max3A_121 = arith.constant dense<0xFF800000> : vector<224xf32>
      %reduce_max3A_122 = vector.multi_reduction <maximumf>, %select_n3A_120, %reduce_max3A_121 [1] : vector<224x224xf32> to vector<224xf32>
      %broadcast_in_dim3A_123 = vector.shape_cast %reduce_max3A_122 : vector<224xf32> to vector<224x1xf32>
      %sub3A_124 = vector.broadcast %broadcast_in_dim3A_123 : vector<224x1xf32> to vector<224x224xf32>
      %sub3A_125 = arith.subf %select_n3A_120, %sub3A_124 : vector<224x224xf32>
      %exp3A_126 = math.exp %sub3A_125 : vector<224x224xf32>
      %reduce_sum3A_127 = arith.constant dense<0.000000e+00> : vector<224xf32>
      %reduce_sum3A_128 = vector.multi_reduction <add>, %exp3A_126, %reduce_sum3A_127 [1] : vector<224x224xf32> to vector<224xf32>
      %broadcast_in_dim3A_129 = vector.shape_cast %reduce_sum3A_128 : vector<224xf32> to vector<224x1xf32>
      %dot_general3A_130 = arith.constant dense<0.000000e+00> : vector<224x64xf32>
      %dot_general3A_131 = tpu.matmul %exp3A_126, %slice3A_112, %dot_general3A_130 {dimension_numbers = #tpu.dot_dimension_numbers<[1], [0], [0], [1], [0, 0, 1, 1], [], []>, transpose_lhs_hint = false} : vector<224x224xf32>, vector<224x64xf32>, vector<224x64xf32> -> vector<224x64xf32>
      %div3A_132 = vector.broadcast %broadcast_in_dim3A_129 : vector<224x1xf32> to vector<224x64xf32>
      %div3A_133 = arith.divf %dot_general3A_131, %div3A_132 : vector<224x64xf32>
      %slice3A_134 = vector.extract_strided_slice %add3A_43 {offsets = [0, 192], sizes = [224, 64], strides = [1, 1]} : vector<224x768xf32> to vector<224x64xf32>
      %slice3A_135 = vector.extract_strided_slice %add3A_53 {offsets = [0, 192], sizes = [224, 64], strides = [1, 1]} : vector<224x768xf32> to vector<224x64xf32>
      %slice3A_136 = vector.extract_strided_slice %add3A_63 {offsets = [0, 192], sizes = [224, 64], strides = [1, 1]} : vector<224x768xf32> to vector<224x64xf32>
      %dot_general3A_137 = arith.constant dense<0.000000e+00> : vector<224x224xf32>
      %dot_general3A_138 = tpu.matmul %slice3A_134, %slice3A_135, %dot_general3A_137 {dimension_numbers = #tpu.dot_dimension_numbers<[1], [1], [0], [0], [0, 0, 1, 0], [], []>, transpose_lhs_hint = false} : vector<224x64xf32>, vector<224x64xf32>, vector<224x224xf32> -> vector<224x224xf32>
      %mul3A_139 = arith.constant 1.250000e-01 : f32
      %mul3A_140 = vector.broadcast %mul3A_139 : f32 to vector<224x224xf32>
      %mul3A_141 = arith.mulf %dot_general3A_138, %mul3A_140 : vector<224x224xf32>
      %jit3A_142 = arith.constant -1.000000e+30 : f32
      %broadcast_in_dim3A_143 = vector.broadcast %jit3A_142 : f32 to vector<224x224xf32>
      %select_n3A_144 = arith.select %lt3A_66, %mul3A_141, %broadcast_in_dim3A_143 : vector<224x224xi1>, vector<224x224xf32>
      %reduce_max3A_145 = arith.constant dense<0xFF800000> : vector<224xf32>
      %reduce_max3A_146 = vector.multi_reduction <maximumf>, %select_n3A_144, %reduce_max3A_145 [1] : vector<224x224xf32> to vector<224xf32>
      %broadcast_in_dim3A_147 = vector.shape_cast %reduce_max3A_146 : vector<224xf32> to vector<224x1xf32>
      %sub3A_148 = vector.broadcast %broadcast_in_dim3A_147 : vector<224x1xf32> to vector<224x224xf32>
      %sub3A_149 = arith.subf %select_n3A_144, %sub3A_148 : vector<224x224xf32>
      %exp3A_150 = math.exp %sub3A_149 : vector<224x224xf32>
      %reduce_sum3A_151 = arith.constant dense<0.000000e+00> : vector<224xf32>
      %reduce_sum3A_152 = vector.multi_reduction <add>, %exp3A_150, %reduce_sum3A_151 [1] : vector<224x224xf32> to vector<224xf32>
      %broadcast_in_dim3A_153 = vector.shape_cast %reduce_sum3A_152 : vector<224xf32> to vector<224x1xf32>
      %dot_general3A_154 = arith.constant dense<0.000000e+00> : vector<224x64xf32>
      %dot_general3A_155 = tpu.matmul %exp3A_150, %slice3A_136, %dot_general3A_154 {dimension_numbers = #tpu.dot_dimension_numbers<[1], [0], [0], [1], [0, 0, 1, 1], [], []>, transpose_lhs_hint = false} : vector<224x224xf32>, vector<224x64xf32>, vector<224x64xf32> -> vector<224x64xf32>
      %div3A_156 = vector.broadcast %broadcast_in_dim3A_153 : vector<224x1xf32> to vector<224x64xf32>
      %div3A_157 = arith.divf %dot_general3A_155, %div3A_156 : vector<224x64xf32>
      %slice3A_158 = vector.extract_strided_slice %add3A_43 {offsets = [0, 256], sizes = [224, 64], strides = [1, 1]} : vector<224x768xf32> to vector<224x64xf32>
      %slice3A_159 = vector.extract_strided_slice %add3A_53 {offsets = [0, 256], sizes = [224, 64], strides = [1, 1]} : vector<224x768xf32> to vector<224x64xf32>
      %slice3A_160 = vector.extract_strided_slice %add3A_63 {offsets = [0, 256], sizes = [224, 64], strides = [1, 1]} : vector<224x768xf32> to vector<224x64xf32>
      %dot_general3A_161 = arith.constant dense<0.000000e+00> : vector<224x224xf32>
      %dot_general3A_162 = tpu.matmul %slice3A_158, %slice3A_159, %dot_general3A_161 {dimension_numbers = #tpu.dot_dimension_numbers<[1], [1], [0], [0], [0, 0, 1, 0], [], []>, transpose_lhs_hint = false} : vector<224x64xf32>, vector<224x64xf32>, vector<224x224xf32> -> vector<224x224xf32>
      %mul3A_163 = arith.constant 1.250000e-01 : f32
      %mul3A_164 = vector.broadcast %mul3A_163 : f32 to vector<224x224xf32>
      %mul3A_165 = arith.mulf %dot_general3A_162, %mul3A_164 : vector<224x224xf32>
      %jit3A_166 = arith.constant -1.000000e+30 : f32
      %broadcast_in_dim3A_167 = vector.broadcast %jit3A_166 : f32 to vector<224x224xf32>
      %select_n3A_168 = arith.select %lt3A_66, %mul3A_165, %broadcast_in_dim3A_167 : vector<224x224xi1>, vector<224x224xf32>
      %reduce_max3A_169 = arith.constant dense<0xFF800000> : vector<224xf32>
      %reduce_max3A_170 = vector.multi_reduction <maximumf>, %select_n3A_168, %reduce_max3A_169 [1] : vector<224x224xf32> to vector<224xf32>
      %broadcast_in_dim3A_171 = vector.shape_cast %reduce_max3A_170 : vector<224xf32> to vector<224x1xf32>
      %sub3A_172 = vector.broadcast %broadcast_in_dim3A_171 : vector<224x1xf32> to vector<224x224xf32>
      %sub3A_173 = arith.subf %select_n3A_168, %sub3A_172 : vector<224x224xf32>
      %exp3A_174 = math.exp %sub3A_173 : vector<224x224xf32>
      %reduce_sum3A_175 = arith.constant dense<0.000000e+00> : vector<224xf32>
      %reduce_sum3A_176 = vector.multi_reduction <add>, %exp3A_174, %reduce_sum3A_175 [1] : vector<224x224xf32> to vector<224xf32>
      %broadcast_in_dim3A_177 = vector.shape_cast %reduce_sum3A_176 : vector<224xf32> to vector<224x1xf32>
      %dot_general3A_178 = arith.constant dense<0.000000e+00> : vector<224x64xf32>
      %dot_general3A_179 = tpu.matmul %exp3A_174, %slice3A_160, %dot_general3A_178 {dimension_numbers = #tpu.dot_dimension_numbers<[1], [0], [0], [1], [0, 0, 1, 1], [], []>, transpose_lhs_hint = false} : vector<224x224xf32>, vector<224x64xf32>, vector<224x64xf32> -> vector<224x64xf32>
      %div3A_180 = vector.broadcast %broadcast_in_dim3A_177 : vector<224x1xf32> to vector<224x64xf32>
      %div3A_181 = arith.divf %dot_general3A_179, %div3A_180 : vector<224x64xf32>
      %slice3A_182 = vector.extract_strided_slice %add3A_43 {offsets = [0, 320], sizes = [224, 64], strides = [1, 1]} : vector<224x768xf32> to vector<224x64xf32>
      %slice3A_183 = vector.extract_strided_slice %add3A_53 {offsets = [0, 320], sizes = [224, 64], strides = [1, 1]} : vector<224x768xf32> to vector<224x64xf32>
      %slice3A_184 = vector.extract_strided_slice %add3A_63 {offsets = [0, 320], sizes = [224, 64], strides = [1, 1]} : vector<224x768xf32> to vector<224x64xf32>
      %dot_general3A_185 = arith.constant dense<0.000000e+00> : vector<224x224xf32>
      %dot_general3A_186 = tpu.matmul %slice3A_182, %slice3A_183, %dot_general3A_185 {dimension_numbers = #tpu.dot_dimension_numbers<[1], [1], [0], [0], [0, 0, 1, 0], [], []>, transpose_lhs_hint = false} : vector<224x64xf32>, vector<224x64xf32>, vector<224x224xf32> -> vector<224x224xf32>
      %mul3A_187 = arith.constant 1.250000e-01 : f32
      %mul3A_188 = vector.broadcast %mul3A_187 : f32 to vector<224x224xf32>
      %mul3A_189 = arith.mulf %dot_general3A_186, %mul3A_188 : vector<224x224xf32>
      %jit3A_190 = arith.constant -1.000000e+30 : f32
      %broadcast_in_dim3A_191 = vector.broadcast %jit3A_190 : f32 to vector<224x224xf32>
      %select_n3A_192 = arith.select %lt3A_66, %mul3A_189, %broadcast_in_dim3A_191 : vector<224x224xi1>, vector<224x224xf32>
      %reduce_max3A_193 = arith.constant dense<0xFF800000> : vector<224xf32>
      %reduce_max3A_194 = vector.multi_reduction <maximumf>, %select_n3A_192, %reduce_max3A_193 [1] : vector<224x224xf32> to vector<224xf32>
      %broadcast_in_dim3A_195 = vector.shape_cast %reduce_max3A_194 : vector<224xf32> to vector<224x1xf32>
      %sub3A_196 = vector.broadcast %broadcast_in_dim3A_195 : vector<224x1xf32> to vector<224x224xf32>
      %sub3A_197 = arith.subf %select_n3A_192, %sub3A_196 : vector<224x224xf32>
      %exp3A_198 = math.exp %sub3A_197 : vector<224x224xf32>
      %reduce_sum3A_199 = arith.constant dense<0.000000e+00> : vector<224xf32>
      %reduce_sum3A_200 = vector.multi_reduction <add>, %exp3A_198, %reduce_sum3A_199 [1] : vector<224x224xf32> to vector<224xf32>
      %broadcast_in_dim3A_201 = vector.shape_cast %reduce_sum3A_200 : vector<224xf32> to vector<224x1xf32>
      %dot_general3A_202 = arith.constant dense<0.000000e+00> : vector<224x64xf32>
      %dot_general3A_203 = tpu.matmul %exp3A_198, %slice3A_184, %dot_general3A_202 {dimension_numbers = #tpu.dot_dimension_numbers<[1], [0], [0], [1], [0, 0, 1, 1], [], []>, transpose_lhs_hint = false} : vector<224x224xf32>, vector<224x64xf32>, vector<224x64xf32> -> vector<224x64xf32>
      %div3A_204 = vector.broadcast %broadcast_in_dim3A_201 : vector<224x1xf32> to vector<224x64xf32>
      %div3A_205 = arith.divf %dot_general3A_203, %div3A_204 : vector<224x64xf32>
      %slice3A_206 = vector.extract_strided_slice %add3A_43 {offsets = [0, 384], sizes = [224, 64], strides = [1, 1]} : vector<224x768xf32> to vector<224x64xf32>
      %slice3A_207 = vector.extract_strided_slice %add3A_53 {offsets = [0, 384], sizes = [224, 64], strides = [1, 1]} : vector<224x768xf32> to vector<224x64xf32>
      %slice3A_208 = vector.extract_strided_slice %add3A_63 {offsets = [0, 384], sizes = [224, 64], strides = [1, 1]} : vector<224x768xf32> to vector<224x64xf32>
      %dot_general3A_209 = arith.constant dense<0.000000e+00> : vector<224x224xf32>
      %dot_general3A_210 = tpu.matmul %slice3A_206, %slice3A_207, %dot_general3A_209 {dimension_numbers = #tpu.dot_dimension_numbers<[1], [1], [0], [0], [0, 0, 1, 0], [], []>, transpose_lhs_hint = false} : vector<224x64xf32>, vector<224x64xf32>, vector<224x224xf32> -> vector<224x224xf32>
      %mul3A_211 = arith.constant 1.250000e-01 : f32
      %mul3A_212 = vector.broadcast %mul3A_211 : f32 to vector<224x224xf32>
      %mul3A_213 = arith.mulf %dot_general3A_210, %mul3A_212 : vector<224x224xf32>
      %jit3A_214 = arith.constant -1.000000e+30 : f32
      %broadcast_in_dim3A_215 = vector.broadcast %jit3A_214 : f32 to vector<224x224xf32>
      %select_n3A_216 = arith.select %lt3A_66, %mul3A_213, %broadcast_in_dim3A_215 : vector<224x224xi1>, vector<224x224xf32>
      %reduce_max3A_217 = arith.constant dense<0xFF800000> : vector<224xf32>
      %reduce_max3A_218 = vector.multi_reduction <maximumf>, %select_n3A_216, %reduce_max3A_217 [1] : vector<224x224xf32> to vector<224xf32>
      %broadcast_in_dim3A_219 = vector.shape_cast %reduce_max3A_218 : vector<224xf32> to vector<224x1xf32>
      %sub3A_220 = vector.broadcast %broadcast_in_dim3A_219 : vector<224x1xf32> to vector<224x224xf32>
      %sub3A_221 = arith.subf %select_n3A_216, %sub3A_220 : vector<224x224xf32>
      %exp3A_222 = math.exp %sub3A_221 : vector<224x224xf32>
      %reduce_sum3A_223 = arith.constant dense<0.000000e+00> : vector<224xf32>
      %reduce_sum3A_224 = vector.multi_reduction <add>, %exp3A_222, %reduce_sum3A_223 [1] : vector<224x224xf32> to vector<224xf32>
      %broadcast_in_dim3A_225 = vector.shape_cast %reduce_sum3A_224 : vector<224xf32> to vector<224x1xf32>
      %dot_general3A_226 = arith.constant dense<0.000000e+00> : vector<224x64xf32>
      %dot_general3A_227 = tpu.matmul %exp3A_222, %slice3A_208, %dot_general3A_226 {dimension_numbers = #tpu.dot_dimension_numbers<[1], [0], [0], [1], [0, 0, 1, 1], [], []>, transpose_lhs_hint = false} : vector<224x224xf32>, vector<224x64xf32>, vector<224x64xf32> -> vector<224x64xf32>
      %div3A_228 = vector.broadcast %broadcast_in_dim3A_225 : vector<224x1xf32> to vector<224x64xf32>
      %div3A_229 = arith.divf %dot_general3A_227, %div3A_228 : vector<224x64xf32>
      %slice3A_230 = vector.extract_strided_slice %add3A_43 {offsets = [0, 448], sizes = [224, 64], strides = [1, 1]} : vector<224x768xf32> to vector<224x64xf32>
      %slice3A_231 = vector.extract_strided_slice %add3A_53 {offsets = [0, 448], sizes = [224, 64], strides = [1, 1]} : vector<224x768xf32> to vector<224x64xf32>
      %slice3A_232 = vector.extract_strided_slice %add3A_63 {offsets = [0, 448], sizes = [224, 64], strides = [1, 1]} : vector<224x768xf32> to vector<224x64xf32>
      %dot_general3A_233 = arith.constant dense<0.000000e+00> : vector<224x224xf32>
      %dot_general3A_234 = tpu.matmul %slice3A_230, %slice3A_231, %dot_general3A_233 {dimension_numbers = #tpu.dot_dimension_numbers<[1], [1], [0], [0], [0, 0, 1, 0], [], []>, transpose_lhs_hint = false} : vector<224x64xf32>, vector<224x64xf32>, vector<224x224xf32> -> vector<224x224xf32>
      %mul3A_235 = arith.constant 1.250000e-01 : f32
      %mul3A_236 = vector.broadcast %mul3A_235 : f32 to vector<224x224xf32>
      %mul3A_237 = arith.mulf %dot_general3A_234, %mul3A_236 : vector<224x224xf32>
      %jit3A_238 = arith.constant -1.000000e+30 : f32
      %broadcast_in_dim3A_239 = vector.broadcast %jit3A_238 : f32 to vector<224x224xf32>
      %select_n3A_240 = arith.select %lt3A_66, %mul3A_237, %broadcast_in_dim3A_239 : vector<224x224xi1>, vector<224x224xf32>
      %reduce_max3A_241 = arith.constant dense<0xFF800000> : vector<224xf32>
      %reduce_max3A_242 = vector.multi_reduction <maximumf>, %select_n3A_240, %reduce_max3A_241 [1] : vector<224x224xf32> to vector<224xf32>
      %broadcast_in_dim3A_243 = vector.shape_cast %reduce_max3A_242 : vector<224xf32> to vector<224x1xf32>
      %sub3A_244 = vector.broadcast %broadcast_in_dim3A_243 : vector<224x1xf32> to vector<224x224xf32>
      %sub3A_245 = arith.subf %select_n3A_240, %sub3A_244 : vector<224x224xf32>
      %exp3A_246 = math.exp %sub3A_245 : vector<224x224xf32>
      %reduce_sum3A_247 = arith.constant dense<0.000000e+00> : vector<224xf32>
      %reduce_sum3A_248 = vector.multi_reduction <add>, %exp3A_246, %reduce_sum3A_247 [1] : vector<224x224xf32> to vector<224xf32>
      %broadcast_in_dim3A_249 = vector.shape_cast %reduce_sum3A_248 : vector<224xf32> to vector<224x1xf32>
      %dot_general3A_250 = arith.constant dense<0.000000e+00> : vector<224x64xf32>
      %dot_general3A_251 = tpu.matmul %exp3A_246, %slice3A_232, %dot_general3A_250 {dimension_numbers = #tpu.dot_dimension_numbers<[1], [0], [0], [1], [0, 0, 1, 1], [], []>, transpose_lhs_hint = false} : vector<224x224xf32>, vector<224x64xf32>, vector<224x64xf32> -> vector<224x64xf32>
      %div3A_252 = vector.broadcast %broadcast_in_dim3A_249 : vector<224x1xf32> to vector<224x64xf32>
      %div3A_253 = arith.divf %dot_general3A_251, %div3A_252 : vector<224x64xf32>
      %slice3A_254 = vector.extract_strided_slice %add3A_43 {offsets = [0, 512], sizes = [224, 64], strides = [1, 1]} : vector<224x768xf32> to vector<224x64xf32>
      %slice3A_255 = vector.extract_strided_slice %add3A_53 {offsets = [0, 512], sizes = [224, 64], strides = [1, 1]} : vector<224x768xf32> to vector<224x64xf32>
      %slice3A_256 = vector.extract_strided_slice %add3A_63 {offsets = [0, 512], sizes = [224, 64], strides = [1, 1]} : vector<224x768xf32> to vector<224x64xf32>
      %dot_general3A_257 = arith.constant dense<0.000000e+00> : vector<224x224xf32>
      %dot_general3A_258 = tpu.matmul %slice3A_254, %slice3A_255, %dot_general3A_257 {dimension_numbers = #tpu.dot_dimension_numbers<[1], [1], [0], [0], [0, 0, 1, 0], [], []>, transpose_lhs_hint = false} : vector<224x64xf32>, vector<224x64xf32>, vector<224x224xf32> -> vector<224x224xf32>
      %mul3A_259 = arith.constant 1.250000e-01 : f32
      %mul3A_260 = vector.broadcast %mul3A_259 : f32 to vector<224x224xf32>
      %mul3A_261 = arith.mulf %dot_general3A_258, %mul3A_260 : vector<224x224xf32>
      %jit3A_262 = arith.constant -1.000000e+30 : f32
      %broadcast_in_dim3A_263 = vector.broadcast %jit3A_262 : f32 to vector<224x224xf32>
      %select_n3A_264 = arith.select %lt3A_66, %mul3A_261, %broadcast_in_dim3A_263 : vector<224x224xi1>, vector<224x224xf32>
      %reduce_max3A_265 = arith.constant dense<0xFF800000> : vector<224xf32>
      %reduce_max3A_266 = vector.multi_reduction <maximumf>, %select_n3A_264, %reduce_max3A_265 [1] : vector<224x224xf32> to vector<224xf32>
      %broadcast_in_dim3A_267 = vector.shape_cast %reduce_max3A_266 : vector<224xf32> to vector<224x1xf32>
      %sub3A_268 = vector.broadcast %broadcast_in_dim3A_267 : vector<224x1xf32> to vector<224x224xf32>
      %sub3A_269 = arith.subf %select_n3A_264, %sub3A_268 : vector<224x224xf32>
      %exp3A_270 = math.exp %sub3A_269 : vector<224x224xf32>
      %reduce_sum3A_271 = arith.constant dense<0.000000e+00> : vector<224xf32>
      %reduce_sum3A_272 = vector.multi_reduction <add>, %exp3A_270, %reduce_sum3A_271 [1] : vector<224x224xf32> to vector<224xf32>
      %broadcast_in_dim3A_273 = vector.shape_cast %reduce_sum3A_272 : vector<224xf32> to vector<224x1xf32>
      %dot_general3A_274 = arith.constant dense<0.000000e+00> : vector<224x64xf32>
      %dot_general3A_275 = tpu.matmul %exp3A_270, %slice3A_256, %dot_general3A_274 {dimension_numbers = #tpu.dot_dimension_numbers<[1], [0], [0], [1], [0, 0, 1, 1], [], []>, transpose_lhs_hint = false} : vector<224x224xf32>, vector<224x64xf32>, vector<224x64xf32> -> vector<224x64xf32>
      %div3A_276 = vector.broadcast %broadcast_in_dim3A_273 : vector<224x1xf32> to vector<224x64xf32>
      %div3A_277 = arith.divf %dot_general3A_275, %div3A_276 : vector<224x64xf32>
      %slice3A_278 = vector.extract_strided_slice %add3A_43 {offsets = [0, 576], sizes = [224, 64], strides = [1, 1]} : vector<224x768xf32> to vector<224x64xf32>
      %slice3A_279 = vector.extract_strided_slice %add3A_53 {offsets = [0, 576], sizes = [224, 64], strides = [1, 1]} : vector<224x768xf32> to vector<224x64xf32>
      %slice3A_280 = vector.extract_strided_slice %add3A_63 {offsets = [0, 576], sizes = [224, 64], strides = [1, 1]} : vector<224x768xf32> to vector<224x64xf32>
      %dot_general3A_281 = arith.constant dense<0.000000e+00> : vector<224x224xf32>
      %dot_general3A_282 = tpu.matmul %slice3A_278, %slice3A_279, %dot_general3A_281 {dimension_numbers = #tpu.dot_dimension_numbers<[1], [1], [0], [0], [0, 0, 1, 0], [], []>, transpose_lhs_hint = false} : vector<224x64xf32>, vector<224x64xf32>, vector<224x224xf32> -> vector<224x224xf32>
      %mul3A_283 = arith.constant 1.250000e-01 : f32
      %mul3A_284 = vector.broadcast %mul3A_283 : f32 to vector<224x224xf32>
      %mul3A_285 = arith.mulf %dot_general3A_282, %mul3A_284 : vector<224x224xf32>
      %jit3A_286 = arith.constant -1.000000e+30 : f32
      %broadcast_in_dim3A_287 = vector.broadcast %jit3A_286 : f32 to vector<224x224xf32>
      %select_n3A_288 = arith.select %lt3A_66, %mul3A_285, %broadcast_in_dim3A_287 : vector<224x224xi1>, vector<224x224xf32>
      %reduce_max3A_289 = arith.constant dense<0xFF800000> : vector<224xf32>
      %reduce_max3A_290 = vector.multi_reduction <maximumf>, %select_n3A_288, %reduce_max3A_289 [1] : vector<224x224xf32> to vector<224xf32>
      %broadcast_in_dim3A_291 = vector.shape_cast %reduce_max3A_290 : vector<224xf32> to vector<224x1xf32>
      %sub3A_292 = vector.broadcast %broadcast_in_dim3A_291 : vector<224x1xf32> to vector<224x224xf32>
      %sub3A_293 = arith.subf %select_n3A_288, %sub3A_292 : vector<224x224xf32>
      %exp3A_294 = math.exp %sub3A_293 : vector<224x224xf32>
      %reduce_sum3A_295 = arith.constant dense<0.000000e+00> : vector<224xf32>
      %reduce_sum3A_296 = vector.multi_reduction <add>, %exp3A_294, %reduce_sum3A_295 [1] : vector<224x224xf32> to vector<224xf32>
      %broadcast_in_dim3A_297 = vector.shape_cast %reduce_sum3A_296 : vector<224xf32> to vector<224x1xf32>
      %dot_general3A_298 = arith.constant dense<0.000000e+00> : vector<224x64xf32>
      %dot_general3A_299 = tpu.matmul %exp3A_294, %slice3A_280, %dot_general3A_298 {dimension_numbers = #tpu.dot_dimension_numbers<[1], [0], [0], [1], [0, 0, 1, 1], [], []>, transpose_lhs_hint = false} : vector<224x224xf32>, vector<224x64xf32>, vector<224x64xf32> -> vector<224x64xf32>
      %div3A_300 = vector.broadcast %broadcast_in_dim3A_297 : vector<224x1xf32> to vector<224x64xf32>
      %div3A_301 = arith.divf %dot_general3A_299, %div3A_300 : vector<224x64xf32>
      %slice3A_302 = vector.extract_strided_slice %add3A_43 {offsets = [0, 640], sizes = [224, 64], strides = [1, 1]} : vector<224x768xf32> to vector<224x64xf32>
      %slice3A_303 = vector.extract_strided_slice %add3A_53 {offsets = [0, 640], sizes = [224, 64], strides = [1, 1]} : vector<224x768xf32> to vector<224x64xf32>
      %slice3A_304 = vector.extract_strided_slice %add3A_63 {offsets = [0, 640], sizes = [224, 64], strides = [1, 1]} : vector<224x768xf32> to vector<224x64xf32>
      %dot_general3A_305 = arith.constant dense<0.000000e+00> : vector<224x224xf32>
      %dot_general3A_306 = tpu.matmul %slice3A_302, %slice3A_303, %dot_general3A_305 {dimension_numbers = #tpu.dot_dimension_numbers<[1], [1], [0], [0], [0, 0, 1, 0], [], []>, transpose_lhs_hint = false} : vector<224x64xf32>, vector<224x64xf32>, vector<224x224xf32> -> vector<224x224xf32>
      %mul3A_307 = arith.constant 1.250000e-01 : f32
      %mul3A_308 = vector.broadcast %mul3A_307 : f32 to vector<224x224xf32>
      %mul3A_309 = arith.mulf %dot_general3A_306, %mul3A_308 : vector<224x224xf32>
      %jit3A_310 = arith.constant -1.000000e+30 : f32
      %broadcast_in_dim3A_311 = vector.broadcast %jit3A_310 : f32 to vector<224x224xf32>
      %select_n3A_312 = arith.select %lt3A_66, %mul3A_309, %broadcast_in_dim3A_311 : vector<224x224xi1>, vector<224x224xf32>
      %reduce_max3A_313 = arith.constant dense<0xFF800000> : vector<224xf32>
      %reduce_max3A_314 = vector.multi_reduction <maximumf>, %select_n3A_312, %reduce_max3A_313 [1] : vector<224x224xf32> to vector<224xf32>
      %broadcast_in_dim3A_315 = vector.shape_cast %reduce_max3A_314 : vector<224xf32> to vector<224x1xf32>
      %sub3A_316 = vector.broadcast %broadcast_in_dim3A_315 : vector<224x1xf32> to vector<224x224xf32>
      %sub3A_317 = arith.subf %select_n3A_312, %sub3A_316 : vector<224x224xf32>
      %exp3A_318 = math.exp %sub3A_317 : vector<224x224xf32>
      %reduce_sum3A_319 = arith.constant dense<0.000000e+00> : vector<224xf32>
      %reduce_sum3A_320 = vector.multi_reduction <add>, %exp3A_318, %reduce_sum3A_319 [1] : vector<224x224xf32> to vector<224xf32>
      %broadcast_in_dim3A_321 = vector.shape_cast %reduce_sum3A_320 : vector<224xf32> to vector<224x1xf32>
      %dot_general3A_322 = arith.constant dense<0.000000e+00> : vector<224x64xf32>
      %dot_general3A_323 = tpu.matmul %exp3A_318, %slice3A_304, %dot_general3A_322 {dimension_numbers = #tpu.dot_dimension_numbers<[1], [0], [0], [1], [0, 0, 1, 1], [], []>, transpose_lhs_hint = false} : vector<224x224xf32>, vector<224x64xf32>, vector<224x64xf32> -> vector<224x64xf32>
      %div3A_324 = vector.broadcast %broadcast_in_dim3A_321 : vector<224x1xf32> to vector<224x64xf32>
      %div3A_325 = arith.divf %dot_general3A_323, %div3A_324 : vector<224x64xf32>
      %slice3A_326 = vector.extract_strided_slice %add3A_43 {offsets = [0, 704], sizes = [224, 64], strides = [1, 1]} : vector<224x768xf32> to vector<224x64xf32>
      %slice3A_327 = vector.extract_strided_slice %add3A_53 {offsets = [0, 704], sizes = [224, 64], strides = [1, 1]} : vector<224x768xf32> to vector<224x64xf32>
      %slice3A_328 = vector.extract_strided_slice %add3A_63 {offsets = [0, 704], sizes = [224, 64], strides = [1, 1]} : vector<224x768xf32> to vector<224x64xf32>
      %dot_general3A_329 = arith.constant dense<0.000000e+00> : vector<224x224xf32>
      %dot_general3A_330 = tpu.matmul %slice3A_326, %slice3A_327, %dot_general3A_329 {dimension_numbers = #tpu.dot_dimension_numbers<[1], [1], [0], [0], [0, 0, 1, 0], [], []>, transpose_lhs_hint = false} : vector<224x64xf32>, vector<224x64xf32>, vector<224x224xf32> -> vector<224x224xf32>
      %mul3A_331 = arith.constant 1.250000e-01 : f32
      %mul3A_332 = vector.broadcast %mul3A_331 : f32 to vector<224x224xf32>
      %mul3A_333 = arith.mulf %dot_general3A_330, %mul3A_332 : vector<224x224xf32>
      %jit3A_334 = arith.constant -1.000000e+30 : f32
      %broadcast_in_dim3A_335 = vector.broadcast %jit3A_334 : f32 to vector<224x224xf32>
      %select_n3A_336 = arith.select %lt3A_66, %mul3A_333, %broadcast_in_dim3A_335 : vector<224x224xi1>, vector<224x224xf32>
      %reduce_max3A_337 = arith.constant dense<0xFF800000> : vector<224xf32>
      %reduce_max3A_338 = vector.multi_reduction <maximumf>, %select_n3A_336, %reduce_max3A_337 [1] : vector<224x224xf32> to vector<224xf32>
      %broadcast_in_dim3A_339 = vector.shape_cast %reduce_max3A_338 : vector<224xf32> to vector<224x1xf32>
      %sub3A_340 = vector.broadcast %broadcast_in_dim3A_339 : vector<224x1xf32> to vector<224x224xf32>
      %sub3A_341 = arith.subf %select_n3A_336, %sub3A_340 : vector<224x224xf32>
      %exp3A_342 = math.exp %sub3A_341 : vector<224x224xf32>
      %reduce_sum3A_343 = arith.constant dense<0.000000e+00> : vector<224xf32>
      %reduce_sum3A_344 = vector.multi_reduction <add>, %exp3A_342, %reduce_sum3A_343 [1] : vector<224x224xf32> to vector<224xf32>
      %broadcast_in_dim3A_345 = vector.shape_cast %reduce_sum3A_344 : vector<224xf32> to vector<224x1xf32>
      %dot_general3A_346 = arith.constant dense<0.000000e+00> : vector<224x64xf32>
      %dot_general3A_347 = tpu.matmul %exp3A_342, %slice3A_328, %dot_general3A_346 {dimension_numbers = #tpu.dot_dimension_numbers<[1], [0], [0], [1], [0, 0, 1, 1], [], []>, transpose_lhs_hint = false} : vector<224x224xf32>, vector<224x64xf32>, vector<224x64xf32> -> vector<224x64xf32>
      %div3A_348 = vector.broadcast %broadcast_in_dim3A_345 : vector<224x1xf32> to vector<224x64xf32>
      %div3A_349 = arith.divf %dot_general3A_347, %div3A_348 : vector<224x64xf32>
      %concatenate3A = tpu.concatenate %div3A_85, %div3A_109, %div3A_133, %div3A_157, %div3A_181, %div3A_205, %div3A_229, %div3A_253, %div3A_277, %div3A_301, %div3A_325, %div3A_349 in 1 : vector<224x64xf32>, vector<224x64xf32>, vector<224x64xf32>, vector<224x64xf32>, vector<224x64xf32>, vector<224x64xf32>, vector<224x64xf32>, vector<224x64xf32>, vector<224x64xf32>, vector<224x64xf32>, vector<224x64xf32>, vector<224x64xf32> -> vector<224x768xf32>
      %get3A_350 = arith.constant 0 : index
      %get3A_351 = arith.constant 0 : index
      %get3A_352 = vector.load %arg10[%get3A_350, %get3A_351] : memref<768x768xf32, #tpu.memory_space<vmem>>, vector<768x768xf32>
      %dot_general3A_353 = arith.constant dense<0.000000e+00> : vector<224x768xf32>
      %dot_general3A_354 = tpu.matmul %concatenate3A, %get3A_352, %dot_general3A_353 {dimension_numbers = #tpu.dot_dimension_numbers<[1], [0], [0], [1], [0, 0, 1, 1], [], []>, transpose_lhs_hint = false} : vector<224x768xf32>, vector<768x768xf32>, vector<224x768xf32> -> vector<224x768xf32>
      %add3A_355 = arith.addf %get3A_8, %dot_general3A_354 : vector<224x768xf32>
      %get3A_356 = arith.constant 0 : index
      %get3A_357 = arith.constant 0 : index
      %get3A_358 = vector.load %arg11[%get3A_356, %get3A_357] : memref<1x768xf32, #tpu.memory_space<vmem>>, vector<1x768xf32>
      %add3A_359 = vector.broadcast %get3A_358 : vector<1x768xf32> to vector<224x768xf32>
      %add3A_360 = arith.addf %add3A_355, %add3A_359 : vector<224x768xf32>
      %swap3A = arith.index_cast %mul3A_6 : i32 to index
      %swap3A_361 = arith.constant 0 : index
      %swap3A_362 = vector.load %arg19[%swap3A, %swap3A_361] : memref<896x768xf32, #tpu.memory_space<vmem>>, vector<224x768xf32>
      tpu.vector_store %arg19[%swap3A, %swap3A_361], %add3A_360 {strides = array<i32>} : memref<896x768xf32, #tpu.memory_space<vmem>>, vector<224x768xf32>,
    } else {
    }
    %ge3A = arith.constant 4 : i32
    %ge3A_2 = arith.cmpi sge, %arg0, %ge3A : i32
    %convert_element_type3A_3 = arith.extui %ge3A_2 : i1 to i32
    %cond3A_4 = arith.constant 0 : i32
    %cond3A_5 = arith.cmpi ne, %convert_element_type3A_3, %cond3A_4 : i32
    scf.if %cond3A_5 {
      %sub3A = arith.constant 4 : i32
      %sub3A_6 = arith.subi %arg0, %sub3A : i32
      %eq3A = arith.constant 0 : i32
      %eq3A_7 = arith.cmpi eq, %sub3A_6, %eq3A : i32
      %convert_element_type3A_8 = arith.extui %eq3A_7 : i1 to i32
      %cond3A_9 = arith.constant 0 : i32
      %cond3A_10 = arith.cmpi ne, %convert_element_type3A_8, %cond3A_9 : i32
      scf.if %cond3A_10 {
        %get3A_49 = arith.constant 0 : index
        %get3A_50 = arith.constant 0 : index
        %get3A_51 = vector.load %arg19[%get3A_49, %get3A_50] : memref<896x768xf32, #tpu.memory_space<vmem>>, vector<896x768xf32>
        %get3A_52 = arith.constant 0 : index
        %get3A_53 = arith.constant 0 : index
        %get3A_54 = vector.load %arg12[%get3A_52, %get3A_53] : memref<1x768xf32, #tpu.memory_space<vmem>>, vector<1x768xf32>
        %get3A_55 = arith.constant 0 : index
        %get3A_56 = arith.constant 0 : index
        %get3A_57 = vector.load %arg13[%get3A_55, %get3A_56] : memref<1x768xf32, #tpu.memory_space<vmem>>, vector<1x768xf32>
        %reduce_sum3A = arith.constant dense<0.000000e+00> : vector<896xf32>
        %reduce_sum3A_58 = vector.multi_reduction <add>, %get3A_51, %reduce_sum3A [1] : vector<896x768xf32> to vector<896xf32>
        %broadcast_in_dim3A = vector.shape_cast %reduce_sum3A_58 : vector<896xf32> to vector<896x1xf32>
        %div3A = arith.constant 7.680000e+02 : f32
        %div3A_59 = vector.broadcast %div3A : f32 to vector<896x1xf32>
        %div3A_60 = arith.divf %broadcast_in_dim3A, %div3A_59 : vector<896x1xf32>
        %sub3A_61 = vector.broadcast %div3A_60 : vector<896x1xf32> to vector<896x768xf32>
        %sub3A_62 = arith.subf %get3A_51, %sub3A_61 : vector<896x768xf32>
        %integer_pow3A_63 = arith.mulf %sub3A_62, %sub3A_62 : vector<896x768xf32>
        %reduce_sum3A_64 = arith.constant dense<0.000000e+00> : vector<896xf32>
        %reduce_sum3A_65 = vector.multi_reduction <add>, %integer_pow3A_63, %reduce_sum3A_64 [1] : vector<896x768xf32> to vector<896xf32>
        %broadcast_in_dim3A_66 = vector.shape_cast %reduce_sum3A_65 : vector<896xf32> to vector<896x1xf32>
        %div3A_67 = arith.constant 7.680000e+02 : f32
        %div3A_68 = vector.broadcast %div3A_67 : f32 to vector<896x1xf32>
        %div3A_69 = arith.divf %broadcast_in_dim3A_66, %div3A_68 : vector<896x1xf32>
        %sub3A_70 = vector.broadcast %div3A_60 : vector<896x1xf32> to vector<896x768xf32>
        %sub3A_71 = arith.subf %get3A_51, %sub3A_70 : vector<896x768xf32>
        %add3A_72 = arith.constant 9.99999997E-7 : f32
        %add3A_73 = vector.broadcast %add3A_72 : f32 to vector<896x1xf32>
        %add3A_74 = arith.addf %div3A_69, %add3A_73 : vector<896x1xf32>
        %sqrt3A = math.sqrt %add3A_74 : vector<896x1xf32>
        %div3A_75 = vector.broadcast %sqrt3A : vector<896x1xf32> to vector<896x768xf32>
        %div3A_76 = arith.divf %sub3A_71, %div3A_75 : vector<896x768xf32>
        %mul3A_77 = vector.broadcast %get3A_54 : vector<1x768xf32> to vector<896x768xf32>
        %mul3A_78 = arith.mulf %div3A_76, %mul3A_77 : vector<896x768xf32>
        %add3A_79 = vector.broadcast %get3A_57 : vector<1x768xf32> to vector<896x768xf32>
        %add3A_80 = arith.addf %mul3A_78, %add3A_79 : vector<896x768xf32>
        %swap3A = arith.constant 0 : index
        %swap3A_81 = arith.constant 0 : index
        %swap3A_82 = vector.load %arg20[%swap3A, %swap3A_81] : memref<896x768xf32, #tpu.memory_space<vmem>>, vector<896x768xf32>
        tpu.vector_store %arg20[%swap3A, %swap3A_81], %add3A_80 {strides = array<i32>} : memref<896x768xf32, #tpu.memory_space<vmem>>, vector<896x768xf32>,
      } else {
      }
      %get3A = arith.constant 0 : index
      %get3A_11 = arith.constant 0 : index
      %get3A_12 = vector.load %arg20[%get3A, %get3A_11] : memref<896x768xf32, #tpu.memory_space<vmem>>, vector<896x768xf32>
      %get3A_13 = arith.constant 0 : index
      %get3A_14 = arith.constant 0 : index
      %get3A_15 = vector.load %arg14[%get3A_13, %get3A_14] : memref<768x768xf32, #tpu.memory_space<vmem>>, vector<768x768xf32>
      %dot_general3A = arith.constant dense<0.000000e+00> : vector<896x768xf32>
      %dot_general3A_16 = tpu.matmul %get3A_12, %get3A_15, %dot_general3A {dimension_numbers = #tpu.dot_dimension_numbers<[1], [0], [0], [1], [0, 0, 1, 1], [], []>, transpose_lhs_hint = false} : vector<896x768xf32>, vector<768x768xf32>, vector<896x768xf32> -> vector<896x768xf32>
      %get3A_17 = arith.constant 0 : index
      %get3A_18 = arith.constant 0 : index
      %get3A_19 = vector.load %arg15[%get3A_17, %get3A_18] : memref<1x768xf32, #tpu.memory_space<vmem>>, vector<1x768xf32>
      %add3A = vector.broadcast %get3A_19 : vector<1x768xf32> to vector<896x768xf32>
      %add3A_20 = arith.addf %dot_general3A_16, %add3A : vector<896x768xf32>
      %integer_pow3A = arith.mulf %add3A_20, %add3A_20 : vector<896x768xf32>
      %integer_pow3A_21 = arith.mulf %add3A_20, %integer_pow3A : vector<896x768xf32>
      %mul3A = arith.constant 4.471500e-02 : f32
      %mul3A_22 = vector.broadcast %mul3A : f32 to vector<896x768xf32>
      %mul3A_23 = arith.mulf %mul3A_22, %integer_pow3A_21 : vector<896x768xf32>
      %add3A_24 = arith.addf %add3A_20, %mul3A_23 : vector<896x768xf32>
      %mul3A_25 = arith.constant 0.797884583 : f32
      %mul3A_26 = vector.broadcast %mul3A_25 : f32 to vector<896x768xf32>
      %mul3A_27 = arith.mulf %mul3A_26, %add3A_24 : vector<896x768xf32>
      %tanh3A = math.tanh %mul3A_27 : vector<896x768xf32>
      %add3A_28 = arith.constant 1.000000e+00 : f32
      %add3A_29 = vector.broadcast %add3A_28 : f32 to vector<896x768xf32>
      %add3A_30 = arith.addf %add3A_29, %tanh3A : vector<896x768xf32>
      %mul3A_31 = arith.constant 5.000000e-01 : f32
      %mul3A_32 = vector.broadcast %mul3A_31 : f32 to vector<896x768xf32>
      %mul3A_33 = arith.mulf %mul3A_32, %add3A_30 : vector<896x768xf32>
      %mul3A_34 = arith.mulf %add3A_20, %mul3A_33 : vector<896x768xf32>
      %get3A_35 = arith.constant 0 : index
      %get3A_36 = arith.constant 0 : index
      %get3A_37 = vector.load %arg16[%get3A_35, %get3A_36] : memref<768x768xf32, #tpu.memory_space<vmem>>, vector<768x768xf32>
      %dot_general3A_38 = arith.constant dense<0.000000e+00> : vector<896x768xf32>
      %dot_general3A_39 = tpu.matmul %mul3A_34, %get3A_37, %dot_general3A_38 {dimension_numbers = #tpu.dot_dimension_numbers<[1], [0], [0], [1], [0, 0, 1, 1], [], []>, transpose_lhs_hint = false} : vector<896x768xf32>, vector<768x768xf32>, vector<896x768xf32> -> vector<896x768xf32>
      %eq3A_40 = arith.constant 0 : i32
      %eq3A_41 = arith.cmpi eq, %sub3A_6, %eq3A_40 : i32
      %convert_element_type3A_42 = arith.extui %eq3A_41 : i1 to i32
      %cond3A_43 = arith.constant 0 : i32
      %cond3A_44 = arith.cmpi ne, %convert_element_type3A_42, %cond3A_43 : i32
      scf.if %cond3A_44 {
        %get3A_49 = arith.constant 0 : index
        %get3A_50 = arith.constant 0 : index
        %get3A_51 = vector.load %arg19[%get3A_49, %get3A_50] : memref<896x768xf32, #tpu.memory_space<vmem>>, vector<896x768xf32>
        %get3A_52 = arith.constant 0 : index
        %get3A_53 = arith.constant 0 : index
        %get3A_54 = vector.load %arg17[%get3A_52, %get3A_53] : memref<1x768xf32, #tpu.memory_space<vmem>>, vector<1x768xf32>
        %add3A_55 = vector.broadcast %get3A_54 : vector<1x768xf32> to vector<896x768xf32>
        %add3A_56 = arith.addf %get3A_51, %add3A_55 : vector<896x768xf32>
        %add3A_57 = arith.addf %add3A_56, %dot_general3A_39 : vector<896x768xf32>
        %swap3A = arith.constant 0 : index
        %swap3A_58 = arith.constant 0 : index
        %swap3A_59 = vector.load %arg18[%swap3A, %swap3A_58] : memref<896x768xf32, #tpu.memory_space<vmem>>, vector<896x768xf32>
        tpu.vector_store %arg18[%swap3A, %swap3A_58], %add3A_57 {strides = array<i32>} : memref<896x768xf32, #tpu.memory_space<vmem>>, vector<896x768xf32>,
      } else {
      }
      %ne3A = arith.constant 0 : i32
      %ne3A_45 = arith.cmpi ne, %sub3A_6, %ne3A : i32
      %convert_element_type3A_46 = arith.extui %ne3A_45 : i1 to i32
      %cond3A_47 = arith.constant 0 : i32
      %cond3A_48 = arith.cmpi ne, %convert_element_type3A_46, %cond3A_47 : i32
      scf.if %cond3A_48 {
        %get3A_49 = arith.constant 0 : index
        %get3A_50 = arith.constant 0 : index
        %get3A_51 = vector.load %arg18[%get3A_49, %get3A_50] : memref<896x768xf32, #tpu.memory_space<vmem>>, vector<896x768xf32>
        %add3A_52 = arith.addf %get3A_51, %dot_general3A_39 : vector<896x768xf32>
        %swap3A = arith.constant 0 : index
        %swap3A_53 = arith.constant 0 : index
        %swap3A_54 = vector.load %arg18[%swap3A, %swap3A_53] : memref<896x768xf32, #tpu.memory_space<vmem>>, vector<896x768xf32>
        tpu.vector_store %arg18[%swap3A, %swap3A_53], %add3A_52 {strides = array<i32>} : memref<896x768xf32, #tpu.memory_space<vmem>>, vector<896x768xf32>,
      } else {
      }
    } else {
    }
    return
  }
  func.func @transform_0(%arg0: i32) -> (i32, i32) {
    %c0_i32 = arith.constant 0 : i32
    %c0_i32_0 = arith.constant 0 : i32
    %c0_i32_1 = arith.constant 0 : i32
    return %c0_i32, %c0_i32_0 : i32, i32
  }
  func.func @transform_1(%arg0: i32) -> (i32, i32) {
    %c0_i32 = arith.constant 0 : i32
    %c0_i32_0 = arith.constant 0 : i32
    %c0_i32_1 = arith.constant 0 : i32
    return %c0_i32, %c0_i32_0 : i32, i32
  }
  func.func @transform_2(%arg0: i32) -> (i32, i32) {
    %c0_i32 = arith.constant 0 : i32
    %c0_i32_0 = arith.constant 0 : i32
    %c0_i32_1 = arith.constant 0 : i32
    return %c0_i32, %c0_i32_0 : i32, i32
  }
  func.func @transform_3(%arg0: i32) -> (i32, i32) {
    %c0_i32 = arith.constant 0 : i32
    %c0_i32_0 = arith.constant 0 : i32
    %c0_i32_1 = arith.constant 0 : i32
    return %c0_i32, %c0_i32_0 : i32, i32
  }
  func.func @transform_4(%arg0: i32) -> (i32, i32) {
    %c0_i32 = arith.constant 0 : i32
    %c0_i32_0 = arith.constant 0 : i32
    %c0_i32_1 = arith.constant 0 : i32
    return %c0_i32, %c0_i32_0 : i32, i32
  }
  func.func @transform_5(%arg0: i32) -> (i32, i32) {
    %c0_i32 = arith.constant 0 : i32
    %c0_i32_0 = arith.constant 0 : i32
    %c0_i32_1 = arith.constant 0 : i32
    return %c0_i32, %c0_i32_0 : i32, i32
  }
  func.func @transform_6(%arg0: i32) -> (i32, i32) {
    %c0_i32 = arith.constant 0 : i32
    %c0_i32_0 = arith.constant 0 : i32
    %c0_i32_1 = arith.constant 0 : i32
    return %c0_i32, %c0_i32_0 : i32, i32
  }
  func.func @transform_7(%arg0: i32) -> (i32, i32) {
    %c0_i32 = arith.constant 0 : i32
    %c0_i32_0 = arith.constant 0 : i32
    %c0_i32_1 = arith.constant 0 : i32
    return %c0_i32, %c0_i32_0 : i32, i32
  }
  func.func @transform_8(%arg0: i32) -> (i32, i32) {
    %c0_i32 = arith.constant 0 : i32
    %c0_i32_0 = arith.constant 0 : i32
    %c0_i32_1 = arith.constant 0 : i32
    return %c0_i32, %c0_i32_0 : i32, i32
  }
  func.func @transform_9(%arg0: i32) -> (i32, i32) {
    %c0_i32 = arith.constant 0 : i32
    %c0_i32_0 = arith.constant 0 : i32
    %c0_i32_1 = arith.constant 0 : i32
    return %c0_i32, %c0_i32_0 : i32, i32
  }
  func.func @transform_10(%arg0: i32) -> (i32, i32) {
    %c0_i32 = arith.constant 0 : i32
    %c0_i32_0 = arith.constant 0 : i32
    %c0_i32_1 = arith.constant 0 : i32
    return %c0_i32, %c0_i32_0 : i32, i32
  }
  func.func @transform_11(%arg0: i32) -> (i32, i32) {
    %c0_i32 = arith.constant 0 : i32
    %c0_i32_0 = arith.constant 0 : i32
    %c0_i32_1 = arith.constant 0 : i32
    return %c0_i32, %c0_i32_0 : i32, i32
  }
  func.func @transform_12(%arg0: i32) -> (i32, i32) {
    %c0_i32 = arith.constant 0 : i32
    %c0_i32_0 = arith.constant 0 : i32
    %c0_i32_1 = arith.constant 0 : i32
    return %c0_i32, %c0_i32_0 : i32, i32
  }
  func.func @transform_13(%arg0: i32) -> (i32, i32) {
    %sub3A = arith.constant 4 : i32
    %sub3A_0 = arith.subi %arg0, %sub3A : i32
    %max3A = arith.constant 0 : i32
    %max3A_1 = arith.maxsi %sub3A_0, %max3A : i32
    %c0_i32 = arith.constant 0 : i32
    %c0_i32_2 = arith.constant 0 : i32
    return %c0_i32, %max3A_1 : i32, i32
  }
  func.func @transform_14(%arg0: i32) -> (i32, i32) {
    %sub3A = arith.constant 4 : i32
    %sub3A_0 = arith.subi %arg0, %sub3A : i32
    %max3A = arith.constant 0 : i32
    %max3A_1 = arith.maxsi %sub3A_0, %max3A : i32
    %c0_i32 = arith.constant 0 : i32
    %c0_i32_2 = arith.constant 0 : i32
    return %c0_i32, %max3A_1 : i32, i32
  }
  func.func @transform_15(%arg0: i32) -> (i32, i32) {
    %sub3A = arith.constant 4 : i32
    %sub3A_0 = arith.subi %arg0, %sub3A : i32
    %max3A = arith.constant 0 : i32
    %max3A_1 = arith.maxsi %sub3A_0, %max3A : i32
    %c0_i32 = arith.constant 0 : i32
    %c0_i32_2 = arith.constant 0 : i32
    return %max3A_1, %c0_i32 : i32, i32
  }
  func.func @transform_16(%arg0: i32) -> (i32, i32) {
    %c0_i32 = arith.constant 0 : i32
    %c0_i32_0 = arith.constant 0 : i32
    %c0_i32_1 = arith.constant 0 : i32
    return %c0_i32, %c0_i32_0 : i32, i32
  }
  func.func @transform_17(%arg0: i32) -> (i32, i32) {
    %c0_i32 = arith.constant 0 : i32
    %c0_i32_0 = arith.constant 0 : i32
    %c0_i32_1 = arith.constant 0 : i32
    return %c0_i32, %c0_i32_0 : i32, i32
  }
}

module attributes {stable_mosaic.version = 14 : i64} {
  func.func @_attn_body(%arg0: i32, %arg1: i32, %arg2: memref<4x224x768xf32, #tpu.memory_space<vmem>>, %arg3: memref<1x768xf32, #tpu.memory_space<vmem>>, %arg4: memref<1x768xf32, #tpu.memory_space<vmem>>, %arg5: memref<768x256xf32, #tpu.memory_space<vmem>>, %arg6: memref<1x256xf32, #tpu.memory_space<vmem>>, %arg7: memref<768x256xf32, #tpu.memory_space<vmem>>, %arg8: memref<1x256xf32, #tpu.memory_space<vmem>>, %arg9: memref<768x256xf32, #tpu.memory_space<vmem>>, %arg10: memref<1x256xf32, #tpu.memory_space<vmem>>, %arg11: memref<256x768xf32, #tpu.memory_space<vmem>>, %arg12: memref<1x768xf32, #tpu.memory_space<vmem>>, %arg13: memref<4x224x768xf32, #tpu.memory_space<vmem>>, %arg14: memref<4x224x768xf32, #tpu.memory_space<vmem>>) attributes {dimension_semantics = [#tpu.dimension_semantics<arbitrary>, #tpu.dimension_semantics<arbitrary>], iteration_bounds = array<i64: 3, 4>, scalar_prefetch = 0 : i64, scratch_operands = 1 : i64, tpu.core_type = #tpu.core_type<tc>, window_params = [{pipeline_mode = #tpu.pipeline_mode<synchronous>, transform_indices = @transform_0, window_bounds = array<i64: 4, 224, 768>}, {pipeline_mode = #tpu.pipeline_mode<synchronous>, transform_indices = @transform_1, window_bounds = array<i64: 1, 768>}, {pipeline_mode = #tpu.pipeline_mode<synchronous>, transform_indices = @transform_2, window_bounds = array<i64: 1, 768>}, {transform_indices = @transform_3, window_bounds = array<i64: 768, 256>}, {transform_indices = @transform_4, window_bounds = array<i64: 1, 256>}, {transform_indices = @transform_5, window_bounds = array<i64: 768, 256>}, {transform_indices = @transform_6, window_bounds = array<i64: 1, 256>}, {transform_indices = @transform_7, window_bounds = array<i64: 768, 256>}, {transform_indices = @transform_8, window_bounds = array<i64: 1, 256>}, {transform_indices = @transform_9, window_bounds = array<i64: 256, 768>}, {pipeline_mode = #tpu.pipeline_mode<synchronous>, transform_indices = @transform_10, window_bounds = array<i64: 1, 768>}, {pipeline_mode = #tpu.pipeline_mode<synchronous>, transform_indices = @transform_11, window_bounds = array<i64: 4, 224, 768>}]} {
    %get3A = arith.index_cast %arg1 : i32 to index
    %get3A_0 = arith.constant 0 : index
    %get3A_1 = arith.constant 0 : index
    %get3A_2 = vector.load %arg2[%get3A, %get3A_0, %get3A_1] : memref<4x224x768xf32, #tpu.memory_space<vmem>>, vector<1x224x768xf32>
    %get3A_3 = vector.shape_cast %get3A_2 : vector<1x224x768xf32> to vector<224x768xf32>
    %eq3A = arith.constant 0 : i32
    %eq3A_4 = arith.cmpi eq, %arg0, %eq3A : i32
    %convert_element_type3A = arith.extui %eq3A_4 : i1 to i32
    %cond3A = arith.constant 0 : i32
    %cond3A_5 = arith.cmpi ne, %convert_element_type3A, %cond3A : i32
    scf.if %cond3A_5 {
      %get3A_141 = arith.constant 0 : index
      %get3A_142 = arith.constant 0 : index
      %get3A_143 = vector.load %arg3[%get3A_141, %get3A_142] : memref<1x768xf32, #tpu.memory_space<vmem>>, vector<1x768xf32>
      %get3A_144 = arith.constant 0 : index
      %get3A_145 = arith.constant 0 : index
      %get3A_146 = vector.load %arg4[%get3A_144, %get3A_145] : memref<1x768xf32, #tpu.memory_space<vmem>>, vector<1x768xf32>
      %reduce_sum3A_147 = arith.constant dense<0.000000e+00> : vector<224xf32>
      %reduce_sum3A_148 = vector.multi_reduction <add>, %get3A_3, %reduce_sum3A_147 [1] : vector<224x768xf32> to vector<224xf32>
      %broadcast_in_dim3A_149 = vector.shape_cast %reduce_sum3A_148 : vector<224xf32> to vector<224x1xf32>
      %div3A_150 = arith.constant 7.680000e+02 : f32
      %div3A_151 = vector.broadcast %div3A_150 : f32 to vector<224x1xf32>
      %div3A_152 = arith.divf %broadcast_in_dim3A_149, %div3A_151 : vector<224x1xf32>
      %sub3A_153 = vector.broadcast %div3A_152 : vector<224x1xf32> to vector<224x768xf32>
      %sub3A_154 = arith.subf %get3A_3, %sub3A_153 : vector<224x768xf32>
      %integer_pow3A = arith.mulf %sub3A_154, %sub3A_154 : vector<224x768xf32>
      %reduce_sum3A_155 = arith.constant dense<0.000000e+00> : vector<224xf32>
      %reduce_sum3A_156 = vector.multi_reduction <add>, %integer_pow3A, %reduce_sum3A_155 [1] : vector<224x768xf32> to vector<224xf32>
      %broadcast_in_dim3A_157 = vector.shape_cast %reduce_sum3A_156 : vector<224xf32> to vector<224x1xf32>
      %div3A_158 = arith.constant 7.680000e+02 : f32
      %div3A_159 = vector.broadcast %div3A_158 : f32 to vector<224x1xf32>
      %div3A_160 = arith.divf %broadcast_in_dim3A_157, %div3A_159 : vector<224x1xf32>
      %sub3A_161 = vector.broadcast %div3A_152 : vector<224x1xf32> to vector<224x768xf32>
      %sub3A_162 = arith.subf %get3A_3, %sub3A_161 : vector<224x768xf32>
      %add3A_163 = arith.constant 9.99999997E-7 : f32
      %add3A_164 = vector.broadcast %add3A_163 : f32 to vector<224x1xf32>
      %add3A_165 = arith.addf %div3A_160, %add3A_164 : vector<224x1xf32>
      %sqrt3A = math.sqrt %add3A_165 : vector<224x1xf32>
      %div3A_166 = vector.broadcast %sqrt3A : vector<224x1xf32> to vector<224x768xf32>
      %div3A_167 = arith.divf %sub3A_162, %div3A_166 : vector<224x768xf32>
      %mul3A_168 = vector.broadcast %get3A_143 : vector<1x768xf32> to vector<224x768xf32>
      %mul3A_169 = arith.mulf %div3A_167, %mul3A_168 : vector<224x768xf32>
      %add3A_170 = vector.broadcast %get3A_146 : vector<1x768xf32> to vector<224x768xf32>
      %add3A_171 = arith.addf %mul3A_169, %add3A_170 : vector<224x768xf32>
      %swap3A = arith.index_cast %arg1 : i32 to index
      %swap3A_172 = arith.constant 0 : index
      %swap3A_173 = arith.constant 0 : index
      %swap3A_174 = vector.load %arg14[%swap3A, %swap3A_172, %swap3A_173] : memref<4x224x768xf32, #tpu.memory_space<vmem>>, vector<1x224x768xf32>
      %swap3A_175 = vector.shape_cast %swap3A_174 : vector<1x224x768xf32> to vector<224x768xf32>
      %swap3A_176 = vector.shape_cast %add3A_171 : vector<224x768xf32> to vector<1x224x768xf32>
      tpu.vector_store %arg14[%swap3A, %swap3A_172, %swap3A_173], %swap3A_176 {strides = array<i32>} : memref<4x224x768xf32, #tpu.memory_space<vmem>>, vector<1x224x768xf32>,
    } else {
    }
    %get3A_6 = arith.index_cast %arg1 : i32 to index
    %get3A_7 = arith.constant 0 : index
    %get3A_8 = arith.constant 0 : index
    %get3A_9 = vector.load %arg14[%get3A_6, %get3A_7, %get3A_8] : memref<4x224x768xf32, #tpu.memory_space<vmem>>, vector<1x224x768xf32>
    %get3A_10 = vector.shape_cast %get3A_9 : vector<1x224x768xf32> to vector<224x768xf32>
    %get3A_11 = arith.constant 0 : index
    %get3A_12 = arith.constant 0 : index
    %get3A_13 = vector.load %arg5[%get3A_11, %get3A_12] : memref<768x256xf32, #tpu.memory_space<vmem>>, vector<768x256xf32>
    %dot_general3A = arith.constant dense<0.000000e+00> : vector<224x256xf32>
    %dot_general3A_14 = tpu.matmul %get3A_10, %get3A_13, %dot_general3A {dimension_numbers = #tpu.dot_dimension_numbers<[1], [0], [0], [1], [0, 0, 1, 1], [], []>, transpose_lhs_hint = false} : vector<224x768xf32>, vector<768x256xf32>, vector<224x256xf32> -> vector<224x256xf32>
    %get3A_15 = arith.constant 0 : index
    %get3A_16 = arith.constant 0 : index
    %get3A_17 = vector.load %arg6[%get3A_15, %get3A_16] : memref<1x256xf32, #tpu.memory_space<vmem>>, vector<1x256xf32>
    %add3A = vector.broadcast %get3A_17 : vector<1x256xf32> to vector<224x256xf32>
    %add3A_18 = arith.addf %dot_general3A_14, %add3A : vector<224x256xf32>
    %get3A_19 = arith.constant 0 : index
    %get3A_20 = arith.constant 0 : index
    %get3A_21 = vector.load %arg7[%get3A_19, %get3A_20] : memref<768x256xf32, #tpu.memory_space<vmem>>, vector<768x256xf32>
    %dot_general3A_22 = arith.constant dense<0.000000e+00> : vector<224x256xf32>
    %dot_general3A_23 = tpu.matmul %get3A_10, %get3A_21, %dot_general3A_22 {dimension_numbers = #tpu.dot_dimension_numbers<[1], [0], [0], [1], [0, 0, 1, 1], [], []>, transpose_lhs_hint = false} : vector<224x768xf32>, vector<768x256xf32>, vector<224x256xf32> -> vector<224x256xf32>
    %get3A_24 = arith.constant 0 : index
    %get3A_25 = arith.constant 0 : index
    %get3A_26 = vector.load %arg8[%get3A_24, %get3A_25] : memref<1x256xf32, #tpu.memory_space<vmem>>, vector<1x256xf32>
    %add3A_27 = vector.broadcast %get3A_26 : vector<1x256xf32> to vector<224x256xf32>
    %add3A_28 = arith.addf %dot_general3A_23, %add3A_27 : vector<224x256xf32>
    %get3A_29 = arith.constant 0 : index
    %get3A_30 = arith.constant 0 : index
    %get3A_31 = vector.load %arg9[%get3A_29, %get3A_30] : memref<768x256xf32, #tpu.memory_space<vmem>>, vector<768x256xf32>
    %dot_general3A_32 = arith.constant dense<0.000000e+00> : vector<224x256xf32>
    %dot_general3A_33 = tpu.matmul %get3A_10, %get3A_31, %dot_general3A_32 {dimension_numbers = #tpu.dot_dimension_numbers<[1], [0], [0], [1], [0, 0, 1, 1], [], []>, transpose_lhs_hint = false} : vector<224x768xf32>, vector<768x256xf32>, vector<224x256xf32> -> vector<224x256xf32>
    %get3A_34 = arith.constant 0 : index
    %get3A_35 = arith.constant 0 : index
    %get3A_36 = vector.load %arg10[%get3A_34, %get3A_35] : memref<1x256xf32, #tpu.memory_space<vmem>>, vector<1x256xf32>
    %add3A_37 = vector.broadcast %get3A_36 : vector<1x256xf32> to vector<224x256xf32>
    %add3A_38 = arith.addf %dot_general3A_33, %add3A_37 : vector<224x256xf32>
    %iota3A = tpu.iota {dimensions = array<i32: 1>} : vector<224x224xi32>
    %lt3A = arith.constant 196 : i32
    %lt3A_39 = vector.broadcast %lt3A : i32 to vector<224x224xi32>
    %lt3A_40 = arith.cmpi slt, %iota3A, %lt3A_39 : vector<224x224xi32>
    %slice3A = vector.extract_strided_slice %add3A_18 {offsets = [0, 0], sizes = [224, 64], strides = [1, 1]} : vector<224x256xf32> to vector<224x64xf32>
    %slice3A_41 = vector.extract_strided_slice %add3A_28 {offsets = [0, 0], sizes = [224, 64], strides = [1, 1]} : vector<224x256xf32> to vector<224x64xf32>
    %slice3A_42 = vector.extract_strided_slice %add3A_38 {offsets = [0, 0], sizes = [224, 64], strides = [1, 1]} : vector<224x256xf32> to vector<224x64xf32>
    %dot_general3A_43 = arith.constant dense<0.000000e+00> : vector<224x224xf32>
    %dot_general3A_44 = tpu.matmul %slice3A, %slice3A_41, %dot_general3A_43 {dimension_numbers = #tpu.dot_dimension_numbers<[1], [1], [0], [0], [0, 0, 1, 0], [], []>, transpose_lhs_hint = false} : vector<224x64xf32>, vector<224x64xf32>, vector<224x224xf32> -> vector<224x224xf32>
    %mul3A = arith.constant 1.250000e-01 : f32
    %mul3A_45 = vector.broadcast %mul3A : f32 to vector<224x224xf32>
    %mul3A_46 = arith.mulf %dot_general3A_44, %mul3A_45 : vector<224x224xf32>
    %jit3A = arith.constant -1.000000e+30 : f32
    %broadcast_in_dim3A = vector.broadcast %jit3A : f32 to vector<224x224xf32>
    %select_n3A = arith.select %lt3A_40, %mul3A_46, %broadcast_in_dim3A : vector<224x224xi1>, vector<224x224xf32>
    %reduce_max3A = arith.constant dense<0xFF800000> : vector<224xf32>
    %reduce_max3A_47 = vector.multi_reduction <maximumf>, %select_n3A, %reduce_max3A [1] : vector<224x224xf32> to vector<224xf32>
    %broadcast_in_dim3A_48 = vector.shape_cast %reduce_max3A_47 : vector<224xf32> to vector<224x1xf32>
    %sub3A = vector.broadcast %broadcast_in_dim3A_48 : vector<224x1xf32> to vector<224x224xf32>
    %sub3A_49 = arith.subf %select_n3A, %sub3A : vector<224x224xf32>
    %exp3A = math.exp %sub3A_49 : vector<224x224xf32>
    %reduce_sum3A = arith.constant dense<0.000000e+00> : vector<224xf32>
    %reduce_sum3A_50 = vector.multi_reduction <add>, %exp3A, %reduce_sum3A [1] : vector<224x224xf32> to vector<224xf32>
    %broadcast_in_dim3A_51 = vector.shape_cast %reduce_sum3A_50 : vector<224xf32> to vector<224x1xf32>
    %div3A = vector.broadcast %broadcast_in_dim3A_51 : vector<224x1xf32> to vector<224x224xf32>
    %div3A_52 = arith.divf %exp3A, %div3A : vector<224x224xf32>
    %dot_general3A_53 = arith.constant dense<0.000000e+00> : vector<224x64xf32>
    %dot_general3A_54 = tpu.matmul %div3A_52, %slice3A_42, %dot_general3A_53 {dimension_numbers = #tpu.dot_dimension_numbers<[1], [0], [0], [1], [0, 0, 1, 1], [], []>, transpose_lhs_hint = false} : vector<224x224xf32>, vector<224x64xf32>, vector<224x64xf32> -> vector<224x64xf32>
    %slice3A_55 = vector.extract_strided_slice %add3A_18 {offsets = [0, 64], sizes = [224, 64], strides = [1, 1]} : vector<224x256xf32> to vector<224x64xf32>
    %slice3A_56 = vector.extract_strided_slice %add3A_28 {offsets = [0, 64], sizes = [224, 64], strides = [1, 1]} : vector<224x256xf32> to vector<224x64xf32>
    %slice3A_57 = vector.extract_strided_slice %add3A_38 {offsets = [0, 64], sizes = [224, 64], strides = [1, 1]} : vector<224x256xf32> to vector<224x64xf32>
    %dot_general3A_58 = arith.constant dense<0.000000e+00> : vector<224x224xf32>
    %dot_general3A_59 = tpu.matmul %slice3A_55, %slice3A_56, %dot_general3A_58 {dimension_numbers = #tpu.dot_dimension_numbers<[1], [1], [0], [0], [0, 0, 1, 0], [], []>, transpose_lhs_hint = false} : vector<224x64xf32>, vector<224x64xf32>, vector<224x224xf32> -> vector<224x224xf32>
    %mul3A_60 = arith.constant 1.250000e-01 : f32
    %mul3A_61 = vector.broadcast %mul3A_60 : f32 to vector<224x224xf32>
    %mul3A_62 = arith.mulf %dot_general3A_59, %mul3A_61 : vector<224x224xf32>
    %jit3A_63 = arith.constant -1.000000e+30 : f32
    %broadcast_in_dim3A_64 = vector.broadcast %jit3A_63 : f32 to vector<224x224xf32>
    %select_n3A_65 = arith.select %lt3A_40, %mul3A_62, %broadcast_in_dim3A_64 : vector<224x224xi1>, vector<224x224xf32>
    %reduce_max3A_66 = arith.constant dense<0xFF800000> : vector<224xf32>
    %reduce_max3A_67 = vector.multi_reduction <maximumf>, %select_n3A_65, %reduce_max3A_66 [1] : vector<224x224xf32> to vector<224xf32>
    %broadcast_in_dim3A_68 = vector.shape_cast %reduce_max3A_67 : vector<224xf32> to vector<224x1xf32>
    %sub3A_69 = vector.broadcast %broadcast_in_dim3A_68 : vector<224x1xf32> to vector<224x224xf32>
    %sub3A_70 = arith.subf %select_n3A_65, %sub3A_69 : vector<224x224xf32>
    %exp3A_71 = math.exp %sub3A_70 : vector<224x224xf32>
    %reduce_sum3A_72 = arith.constant dense<0.000000e+00> : vector<224xf32>
    %reduce_sum3A_73 = vector.multi_reduction <add>, %exp3A_71, %reduce_sum3A_72 [1] : vector<224x224xf32> to vector<224xf32>
    %broadcast_in_dim3A_74 = vector.shape_cast %reduce_sum3A_73 : vector<224xf32> to vector<224x1xf32>
    %div3A_75 = vector.broadcast %broadcast_in_dim3A_74 : vector<224x1xf32> to vector<224x224xf32>
    %div3A_76 = arith.divf %exp3A_71, %div3A_75 : vector<224x224xf32>
    %dot_general3A_77 = arith.constant dense<0.000000e+00> : vector<224x64xf32>
    %dot_general3A_78 = tpu.matmul %div3A_76, %slice3A_57, %dot_general3A_77 {dimension_numbers = #tpu.dot_dimension_numbers<[1], [0], [0], [1], [0, 0, 1, 1], [], []>, transpose_lhs_hint = false} : vector<224x224xf32>, vector<224x64xf32>, vector<224x64xf32> -> vector<224x64xf32>
    %slice3A_79 = vector.extract_strided_slice %add3A_18 {offsets = [0, 128], sizes = [224, 64], strides = [1, 1]} : vector<224x256xf32> to vector<224x64xf32>
    %slice3A_80 = vector.extract_strided_slice %add3A_28 {offsets = [0, 128], sizes = [224, 64], strides = [1, 1]} : vector<224x256xf32> to vector<224x64xf32>
    %slice3A_81 = vector.extract_strided_slice %add3A_38 {offsets = [0, 128], sizes = [224, 64], strides = [1, 1]} : vector<224x256xf32> to vector<224x64xf32>
    %dot_general3A_82 = arith.constant dense<0.000000e+00> : vector<224x224xf32>
    %dot_general3A_83 = tpu.matmul %slice3A_79, %slice3A_80, %dot_general3A_82 {dimension_numbers = #tpu.dot_dimension_numbers<[1], [1], [0], [0], [0, 0, 1, 0], [], []>, transpose_lhs_hint = false} : vector<224x64xf32>, vector<224x64xf32>, vector<224x224xf32> -> vector<224x224xf32>
    %mul3A_84 = arith.constant 1.250000e-01 : f32
    %mul3A_85 = vector.broadcast %mul3A_84 : f32 to vector<224x224xf32>
    %mul3A_86 = arith.mulf %dot_general3A_83, %mul3A_85 : vector<224x224xf32>
    %jit3A_87 = arith.constant -1.000000e+30 : f32
    %broadcast_in_dim3A_88 = vector.broadcast %jit3A_87 : f32 to vector<224x224xf32>
    %select_n3A_89 = arith.select %lt3A_40, %mul3A_86, %broadcast_in_dim3A_88 : vector<224x224xi1>, vector<224x224xf32>
    %reduce_max3A_90 = arith.constant dense<0xFF800000> : vector<224xf32>
    %reduce_max3A_91 = vector.multi_reduction <maximumf>, %select_n3A_89, %reduce_max3A_90 [1] : vector<224x224xf32> to vector<224xf32>
    %broadcast_in_dim3A_92 = vector.shape_cast %reduce_max3A_91 : vector<224xf32> to vector<224x1xf32>
    %sub3A_93 = vector.broadcast %broadcast_in_dim3A_92 : vector<224x1xf32> to vector<224x224xf32>
    %sub3A_94 = arith.subf %select_n3A_89, %sub3A_93 : vector<224x224xf32>
    %exp3A_95 = math.exp %sub3A_94 : vector<224x224xf32>
    %reduce_sum3A_96 = arith.constant dense<0.000000e+00> : vector<224xf32>
    %reduce_sum3A_97 = vector.multi_reduction <add>, %exp3A_95, %reduce_sum3A_96 [1] : vector<224x224xf32> to vector<224xf32>
    %broadcast_in_dim3A_98 = vector.shape_cast %reduce_sum3A_97 : vector<224xf32> to vector<224x1xf32>
    %div3A_99 = vector.broadcast %broadcast_in_dim3A_98 : vector<224x1xf32> to vector<224x224xf32>
    %div3A_100 = arith.divf %exp3A_95, %div3A_99 : vector<224x224xf32>
    %dot_general3A_101 = arith.constant dense<0.000000e+00> : vector<224x64xf32>
    %dot_general3A_102 = tpu.matmul %div3A_100, %slice3A_81, %dot_general3A_101 {dimension_numbers = #tpu.dot_dimension_numbers<[1], [0], [0], [1], [0, 0, 1, 1], [], []>, transpose_lhs_hint = false} : vector<224x224xf32>, vector<224x64xf32>, vector<224x64xf32> -> vector<224x64xf32>
    %slice3A_103 = vector.extract_strided_slice %add3A_18 {offsets = [0, 192], sizes = [224, 64], strides = [1, 1]} : vector<224x256xf32> to vector<224x64xf32>
    %slice3A_104 = vector.extract_strided_slice %add3A_28 {offsets = [0, 192], sizes = [224, 64], strides = [1, 1]} : vector<224x256xf32> to vector<224x64xf32>
    %slice3A_105 = vector.extract_strided_slice %add3A_38 {offsets = [0, 192], sizes = [224, 64], strides = [1, 1]} : vector<224x256xf32> to vector<224x64xf32>
    %dot_general3A_106 = arith.constant dense<0.000000e+00> : vector<224x224xf32>
    %dot_general3A_107 = tpu.matmul %slice3A_103, %slice3A_104, %dot_general3A_106 {dimension_numbers = #tpu.dot_dimension_numbers<[1], [1], [0], [0], [0, 0, 1, 0], [], []>, transpose_lhs_hint = false} : vector<224x64xf32>, vector<224x64xf32>, vector<224x224xf32> -> vector<224x224xf32>
    %mul3A_108 = arith.constant 1.250000e-01 : f32
    %mul3A_109 = vector.broadcast %mul3A_108 : f32 to vector<224x224xf32>
    %mul3A_110 = arith.mulf %dot_general3A_107, %mul3A_109 : vector<224x224xf32>
    %jit3A_111 = arith.constant -1.000000e+30 : f32
    %broadcast_in_dim3A_112 = vector.broadcast %jit3A_111 : f32 to vector<224x224xf32>
    %select_n3A_113 = arith.select %lt3A_40, %mul3A_110, %broadcast_in_dim3A_112 : vector<224x224xi1>, vector<224x224xf32>
    %reduce_max3A_114 = arith.constant dense<0xFF800000> : vector<224xf32>
    %reduce_max3A_115 = vector.multi_reduction <maximumf>, %select_n3A_113, %reduce_max3A_114 [1] : vector<224x224xf32> to vector<224xf32>
    %broadcast_in_dim3A_116 = vector.shape_cast %reduce_max3A_115 : vector<224xf32> to vector<224x1xf32>
    %sub3A_117 = vector.broadcast %broadcast_in_dim3A_116 : vector<224x1xf32> to vector<224x224xf32>
    %sub3A_118 = arith.subf %select_n3A_113, %sub3A_117 : vector<224x224xf32>
    %exp3A_119 = math.exp %sub3A_118 : vector<224x224xf32>
    %reduce_sum3A_120 = arith.constant dense<0.000000e+00> : vector<224xf32>
    %reduce_sum3A_121 = vector.multi_reduction <add>, %exp3A_119, %reduce_sum3A_120 [1] : vector<224x224xf32> to vector<224xf32>
    %broadcast_in_dim3A_122 = vector.shape_cast %reduce_sum3A_121 : vector<224xf32> to vector<224x1xf32>
    %div3A_123 = vector.broadcast %broadcast_in_dim3A_122 : vector<224x1xf32> to vector<224x224xf32>
    %div3A_124 = arith.divf %exp3A_119, %div3A_123 : vector<224x224xf32>
    %dot_general3A_125 = arith.constant dense<0.000000e+00> : vector<224x64xf32>
    %dot_general3A_126 = tpu.matmul %div3A_124, %slice3A_105, %dot_general3A_125 {dimension_numbers = #tpu.dot_dimension_numbers<[1], [0], [0], [1], [0, 0, 1, 1], [], []>, transpose_lhs_hint = false} : vector<224x224xf32>, vector<224x64xf32>, vector<224x64xf32> -> vector<224x64xf32>
    %concatenate3A = tpu.concatenate %dot_general3A_54, %dot_general3A_78, %dot_general3A_102, %dot_general3A_126 in 1 : vector<224x64xf32>, vector<224x64xf32>, vector<224x64xf32>, vector<224x64xf32> -> vector<224x256xf32>
    %get3A_127 = arith.constant 0 : index
    %get3A_128 = arith.constant 0 : index
    %get3A_129 = vector.load %arg11[%get3A_127, %get3A_128] : memref<256x768xf32, #tpu.memory_space<vmem>>, vector<256x768xf32>
    %dot_general3A_130 = arith.constant dense<0.000000e+00> : vector<224x768xf32>
    %dot_general3A_131 = tpu.matmul %concatenate3A, %get3A_129, %dot_general3A_130 {dimension_numbers = #tpu.dot_dimension_numbers<[1], [0], [0], [1], [0, 0, 1, 1], [], []>, transpose_lhs_hint = false} : vector<224x256xf32>, vector<256x768xf32>, vector<224x768xf32> -> vector<224x768xf32>
    %eq3A_132 = arith.constant 0 : i32
    %eq3A_133 = arith.cmpi eq, %arg0, %eq3A_132 : i32
    %convert_element_type3A_134 = arith.extui %eq3A_133 : i1 to i32
    %cond3A_135 = arith.constant 0 : i32
    %cond3A_136 = arith.cmpi ne, %convert_element_type3A_134, %cond3A_135 : i32
    scf.if %cond3A_136 {
      %get3A_141 = arith.constant 0 : index
      %get3A_142 = arith.constant 0 : index
      %get3A_143 = vector.load %arg12[%get3A_141, %get3A_142] : memref<1x768xf32, #tpu.memory_space<vmem>>, vector<1x768xf32>
      %add3A_144 = vector.broadcast %get3A_143 : vector<1x768xf32> to vector<224x768xf32>
      %add3A_145 = arith.addf %get3A_3, %add3A_144 : vector<224x768xf32>
      %add3A_146 = arith.addf %add3A_145, %dot_general3A_131 : vector<224x768xf32>
      %swap3A = arith.index_cast %arg1 : i32 to index
      %swap3A_147 = arith.constant 0 : index
      %swap3A_148 = arith.constant 0 : index
      %swap3A_149 = vector.load %arg13[%swap3A, %swap3A_147, %swap3A_148] : memref<4x224x768xf32, #tpu.memory_space<vmem>>, vector<1x224x768xf32>
      %swap3A_150 = vector.shape_cast %swap3A_149 : vector<1x224x768xf32> to vector<224x768xf32>
      %swap3A_151 = vector.shape_cast %add3A_146 : vector<224x768xf32> to vector<1x224x768xf32>
      tpu.vector_store %arg13[%swap3A, %swap3A_147, %swap3A_148], %swap3A_151 {strides = array<i32>} : memref<4x224x768xf32, #tpu.memory_space<vmem>>, vector<1x224x768xf32>,
    } else {
    }
    %ne3A = arith.constant 0 : i32
    %ne3A_137 = arith.cmpi ne, %arg0, %ne3A : i32
    %convert_element_type3A_138 = arith.extui %ne3A_137 : i1 to i32
    %cond3A_139 = arith.constant 0 : i32
    %cond3A_140 = arith.cmpi ne, %convert_element_type3A_138, %cond3A_139 : i32
    scf.if %cond3A_140 {
      %get3A_141 = arith.index_cast %arg1 : i32 to index
      %get3A_142 = arith.constant 0 : index
      %get3A_143 = arith.constant 0 : index
      %get3A_144 = vector.load %arg13[%get3A_141, %get3A_142, %get3A_143] : memref<4x224x768xf32, #tpu.memory_space<vmem>>, vector<1x224x768xf32>
      %get3A_145 = vector.shape_cast %get3A_144 : vector<1x224x768xf32> to vector<224x768xf32>
      %add3A_146 = arith.addf %get3A_145, %dot_general3A_131 : vector<224x768xf32>
      %swap3A = arith.index_cast %arg1 : i32 to index
      %swap3A_147 = arith.constant 0 : index
      %swap3A_148 = arith.constant 0 : index
      %swap3A_149 = vector.load %arg13[%swap3A, %swap3A_147, %swap3A_148] : memref<4x224x768xf32, #tpu.memory_space<vmem>>, vector<1x224x768xf32>
      %swap3A_150 = vector.shape_cast %swap3A_149 : vector<1x224x768xf32> to vector<224x768xf32>
      %swap3A_151 = vector.shape_cast %add3A_146 : vector<224x768xf32> to vector<1x224x768xf32>
      tpu.vector_store %arg13[%swap3A, %swap3A_147, %swap3A_148], %swap3A_151 {strides = array<i32>} : memref<4x224x768xf32, #tpu.memory_space<vmem>>, vector<1x224x768xf32>,
    } else {
    }
    return
  }
  func.func @transform_0(%arg0: i32, %arg1: i32) -> (i32, i32, i32) {
    %c0_i32 = arith.constant 0 : i32
    %c0_i32_0 = arith.constant 0 : i32
    %c0_i32_1 = arith.constant 0 : i32
    %c0_i32_2 = arith.constant 0 : i32
    return %c0_i32, %c0_i32_0, %c0_i32_1 : i32, i32, i32
  }
  func.func @transform_1(%arg0: i32, %arg1: i32) -> (i32, i32) {
    %c0_i32 = arith.constant 0 : i32
    %c0_i32_0 = arith.constant 0 : i32
    %c0_i32_1 = arith.constant 0 : i32
    return %c0_i32, %c0_i32_0 : i32, i32
  }
  func.func @transform_2(%arg0: i32, %arg1: i32) -> (i32, i32) {
    %c0_i32 = arith.constant 0 : i32
    %c0_i32_0 = arith.constant 0 : i32
    %c0_i32_1 = arith.constant 0 : i32
    return %c0_i32, %c0_i32_0 : i32, i32
  }
  func.func @transform_3(%arg0: i32, %arg1: i32) -> (i32, i32) {
    %c0_i32 = arith.constant 0 : i32
    %c0_i32_0 = arith.constant 0 : i32
    return %c0_i32, %arg0 : i32, i32
  }
  func.func @transform_4(%arg0: i32, %arg1: i32) -> (i32, i32) {
    %c0_i32 = arith.constant 0 : i32
    %c0_i32_0 = arith.constant 0 : i32
    return %c0_i32, %arg0 : i32, i32
  }
  func.func @transform_5(%arg0: i32, %arg1: i32) -> (i32, i32) {
    %c0_i32 = arith.constant 0 : i32
    %c0_i32_0 = arith.constant 0 : i32
    return %c0_i32, %arg0 : i32, i32
  }
  func.func @transform_6(%arg0: i32, %arg1: i32) -> (i32, i32) {
    %c0_i32 = arith.constant 0 : i32
    %c0_i32_0 = arith.constant 0 : i32
    return %c0_i32, %arg0 : i32, i32
  }
  func.func @transform_7(%arg0: i32, %arg1: i32) -> (i32, i32) {
    %c0_i32 = arith.constant 0 : i32
    %c0_i32_0 = arith.constant 0 : i32
    return %c0_i32, %arg0 : i32, i32
  }
  func.func @transform_8(%arg0: i32, %arg1: i32) -> (i32, i32) {
    %c0_i32 = arith.constant 0 : i32
    %c0_i32_0 = arith.constant 0 : i32
    return %c0_i32, %arg0 : i32, i32
  }
  func.func @transform_9(%arg0: i32, %arg1: i32) -> (i32, i32) {
    %c0_i32 = arith.constant 0 : i32
    %c0_i32_0 = arith.constant 0 : i32
    return %arg0, %c0_i32 : i32, i32
  }
  func.func @transform_10(%arg0: i32, %arg1: i32) -> (i32, i32) {
    %c0_i32 = arith.constant 0 : i32
    %c0_i32_0 = arith.constant 0 : i32
    %c0_i32_1 = arith.constant 0 : i32
    return %c0_i32, %c0_i32_0 : i32, i32
  }
  func.func @transform_11(%arg0: i32, %arg1: i32) -> (i32, i32, i32) {
    %c0_i32 = arith.constant 0 : i32
    %c0_i32_0 = arith.constant 0 : i32
    %c0_i32_1 = arith.constant 0 : i32
    %c0_i32_2 = arith.constant 0 : i32
    return %c0_i32, %c0_i32_0, %c0_i32_1 : i32, i32, i32
  }
}

module attributes {stable_mosaic.version = 14 : i64} {
  func.func @_router_body(%arg0: i32, %arg1: memref<896x768xf32, #tpu.memory_space<vmem>>, %arg2: memref<1x768xf32, #tpu.memory_space<vmem>>, %arg3: memref<1x768xf32, #tpu.memory_space<vmem>>, %arg4: memref<768x128xf32, #tpu.memory_space<vmem>>, %arg5: memref<896x768xf32, #tpu.memory_space<vmem>>, %arg6: memref<1x896xi32, #tpu.memory_space<vmem>>, %arg7: memref<896x1xi32, #tpu.memory_space<vmem>>, %arg8: memref<896x1xf32, #tpu.memory_space<vmem>>, %arg9: memref<1x128xi32, #tpu.memory_space<vmem>>) attributes {dimension_semantics = [#tpu.dimension_semantics<arbitrary>], iteration_bounds = array<i64: 1>, scalar_prefetch = 0 : i64, scratch_operands = 0 : i64, tpu.core_type = #tpu.core_type<tc>, window_params = [{pipeline_mode = #tpu.pipeline_mode<synchronous>, transform_indices = @transform_0, window_bounds = array<i64: 896, 768>}, {pipeline_mode = #tpu.pipeline_mode<synchronous>, transform_indices = @transform_1, window_bounds = array<i64: 1, 768>}, {pipeline_mode = #tpu.pipeline_mode<synchronous>, transform_indices = @transform_2, window_bounds = array<i64: 1, 768>}, {pipeline_mode = #tpu.pipeline_mode<synchronous>, transform_indices = @transform_3, window_bounds = array<i64: 768, 128>}, {pipeline_mode = #tpu.pipeline_mode<synchronous>, transform_indices = @transform_4, window_bounds = array<i64: 896, 768>}, {pipeline_mode = #tpu.pipeline_mode<synchronous>, transform_indices = @transform_5, window_bounds = array<i64: 1, 896>}, {pipeline_mode = #tpu.pipeline_mode<synchronous>, transform_indices = @transform_6, window_bounds = array<i64: 896, 1>}, {pipeline_mode = #tpu.pipeline_mode<synchronous>, transform_indices = @transform_7, window_bounds = array<i64: 896, 1>}, {pipeline_mode = #tpu.pipeline_mode<synchronous>, transform_indices = @transform_8, window_bounds = array<i64: 1, 128>}]} {
    %get3A = arith.constant 0 : index
    %get3A_0 = arith.constant 0 : index
    %get3A_1 = vector.load %arg1[%get3A, %get3A_0] : memref<896x768xf32, #tpu.memory_space<vmem>>, vector<896x768xf32>
    %get3A_2 = arith.constant 0 : index
    %get3A_3 = arith.constant 0 : index
    %get3A_4 = vector.load %arg2[%get3A_2, %get3A_3] : memref<1x768xf32, #tpu.memory_space<vmem>>, vector<1x768xf32>
    %get3A_5 = arith.constant 0 : index
    %get3A_6 = arith.constant 0 : index
    %get3A_7 = vector.load %arg3[%get3A_5, %get3A_6] : memref<1x768xf32, #tpu.memory_space<vmem>>, vector<1x768xf32>
    %reduce_sum3A = arith.constant dense<0.000000e+00> : vector<896xf32>
    %reduce_sum3A_8 = vector.multi_reduction <add>, %get3A_1, %reduce_sum3A [1] : vector<896x768xf32> to vector<896xf32>
    %broadcast_in_dim3A = vector.shape_cast %reduce_sum3A_8 : vector<896xf32> to vector<896x1xf32>
    %div3A = arith.constant 7.680000e+02 : f32
    %div3A_9 = vector.broadcast %div3A : f32 to vector<896x1xf32>
    %div3A_10 = arith.divf %broadcast_in_dim3A, %div3A_9 : vector<896x1xf32>
    %sub3A = vector.broadcast %div3A_10 : vector<896x1xf32> to vector<896x768xf32>
    %sub3A_11 = arith.subf %get3A_1, %sub3A : vector<896x768xf32>
    %integer_pow3A = arith.mulf %sub3A_11, %sub3A_11 : vector<896x768xf32>
    %reduce_sum3A_12 = arith.constant dense<0.000000e+00> : vector<896xf32>
    %reduce_sum3A_13 = vector.multi_reduction <add>, %integer_pow3A, %reduce_sum3A_12 [1] : vector<896x768xf32> to vector<896xf32>
    %broadcast_in_dim3A_14 = vector.shape_cast %reduce_sum3A_13 : vector<896xf32> to vector<896x1xf32>
    %div3A_15 = arith.constant 7.680000e+02 : f32
    %div3A_16 = vector.broadcast %div3A_15 : f32 to vector<896x1xf32>
    %div3A_17 = arith.divf %broadcast_in_dim3A_14, %div3A_16 : vector<896x1xf32>
    %sub3A_18 = vector.broadcast %div3A_10 : vector<896x1xf32> to vector<896x768xf32>
    %sub3A_19 = arith.subf %get3A_1, %sub3A_18 : vector<896x768xf32>
    %add3A = arith.constant 9.99999997E-7 : f32
    %add3A_20 = vector.broadcast %add3A : f32 to vector<896x1xf32>
    %add3A_21 = arith.addf %div3A_17, %add3A_20 : vector<896x1xf32>
    %sqrt3A = math.sqrt %add3A_21 : vector<896x1xf32>
    %div3A_22 = vector.broadcast %sqrt3A : vector<896x1xf32> to vector<896x768xf32>
    %div3A_23 = arith.divf %sub3A_19, %div3A_22 : vector<896x768xf32>
    %mul3A = vector.broadcast %get3A_4 : vector<1x768xf32> to vector<896x768xf32>
    %mul3A_24 = arith.mulf %div3A_23, %mul3A : vector<896x768xf32>
    %add3A_25 = vector.broadcast %get3A_7 : vector<1x768xf32> to vector<896x768xf32>
    %add3A_26 = arith.addf %mul3A_24, %add3A_25 : vector<896x768xf32>
    %swap3A = arith.constant 0 : index
    %swap3A_27 = arith.constant 0 : index
    %swap3A_28 = vector.load %arg5[%swap3A, %swap3A_27] : memref<896x768xf32, #tpu.memory_space<vmem>>, vector<896x768xf32>
    tpu.vector_store %arg5[%swap3A, %swap3A_27], %add3A_26 {strides = array<i32>} : memref<896x768xf32, #tpu.memory_space<vmem>>, vector<896x768xf32>,
    %get3A_29 = arith.constant 0 : index
    %get3A_30 = arith.constant 0 : index
    %get3A_31 = vector.load %arg4[%get3A_29, %get3A_30] : memref<768x128xf32, #tpu.memory_space<vmem>>, vector<768x128xf32>
    %dot_general3A = arith.constant dense<0.000000e+00> : vector<896x128xf32>
    %dot_general3A_32 = tpu.matmul %add3A_26, %get3A_31, %dot_general3A {dimension_numbers = #tpu.dot_dimension_numbers<[1], [0], [0], [1], [0, 0, 1, 1], [], []>, transpose_lhs_hint = false} : vector<896x768xf32>, vector<768x128xf32>, vector<896x128xf32> -> vector<896x128xf32>
    %iota3A = tpu.iota {dimensions = array<i32: 1>} : vector<896x128xi32>
    %lt3A = arith.constant 8 : i32
    %lt3A_33 = vector.broadcast %lt3A : i32 to vector<896x128xi32>
    %lt3A_34 = arith.cmpi slt, %iota3A, %lt3A_33 : vector<896x128xi32>
    %jit3A = arith.constant -1.000000e+30 : f32
    %broadcast_in_dim3A_35 = vector.broadcast %jit3A : f32 to vector<896x128xf32>
    %select_n3A = arith.select %lt3A_34, %dot_general3A_32, %broadcast_in_dim3A_35 : vector<896x128xi1>, vector<896x128xf32>
    %reduce_max3A = arith.constant dense<0xFF800000> : vector<896xf32>
    %reduce_max3A_36 = vector.multi_reduction <maximumf>, %select_n3A, %reduce_max3A [1] : vector<896x128xf32> to vector<896xf32>
    %broadcast_in_dim3A_37 = vector.shape_cast %reduce_max3A_36 : vector<896xf32> to vector<896x1xf32>
    %sub3A_38 = vector.broadcast %broadcast_in_dim3A_37 : vector<896x1xf32> to vector<896x128xf32>
    %sub3A_39 = arith.subf %select_n3A, %sub3A_38 : vector<896x128xf32>
    %exp3A = math.exp %sub3A_39 : vector<896x128xf32>
    %jit3A_40 = arith.constant 0.000000e+00 : f32
    %broadcast_in_dim3A_41 = vector.broadcast %jit3A_40 : f32 to vector<896x128xf32>
    %select_n3A_42 = arith.select %lt3A_34, %exp3A, %broadcast_in_dim3A_41 : vector<896x128xi1>, vector<896x128xf32>
    %reduce_sum3A_43 = arith.constant dense<0.000000e+00> : vector<896xf32>
    %reduce_sum3A_44 = vector.multi_reduction <add>, %select_n3A_42, %reduce_sum3A_43 [1] : vector<896x128xf32> to vector<896xf32>
    %broadcast_in_dim3A_45 = vector.shape_cast %reduce_sum3A_44 : vector<896xf32> to vector<896x1xf32>
    %div3A_46 = arith.constant 1.000000e+00 : f32
    %div3A_47 = vector.broadcast %div3A_46 : f32 to vector<896x1xf32>
    %div3A_48 = arith.divf %div3A_47, %broadcast_in_dim3A_45 : vector<896x1xf32>
    %swap3A_49 = arith.constant 0 : index
    %swap3A_50 = arith.constant 0 : index
    %swap3A_51 = vector.load %arg8[%swap3A_49, %swap3A_50] : memref<896x1xf32, #tpu.memory_space<vmem>>, vector<896x1xf32>
    tpu.vector_store %arg8[%swap3A_49, %swap3A_50], %div3A_48 {strides = array<i32>} : memref<896x1xf32, #tpu.memory_space<vmem>>, vector<896x1xf32>,
    %ge3A = vector.broadcast %broadcast_in_dim3A_37 : vector<896x1xf32> to vector<896x128xf32>
    %ge3A_52 = arith.cmpf oge, %select_n3A, %ge3A : vector<896x128xf32>
    %jit3A_53 = arith.constant 127 : i32
    %broadcast_in_dim3A_54 = vector.broadcast %jit3A_53 : i32 to vector<896x128xi32>
    %select_n3A_55 = arith.select %ge3A_52, %iota3A, %broadcast_in_dim3A_54 : vector<896x128xi1>, vector<896x128xi32>
    %reduce_min3A = arith.constant dense<2147483647> : vector<896xi32>
    %reduce_min3A_56 = vector.multi_reduction <minsi>, %select_n3A_55, %reduce_min3A [1] : vector<896x128xi32> to vector<896xi32>
    %broadcast_in_dim3A_57 = vector.shape_cast %reduce_min3A_56 : vector<896xi32> to vector<896x1xi32>
    %eq3A = vector.broadcast %broadcast_in_dim3A_57 : vector<896x1xi32> to vector<896x128xi32>
    %eq3A_58 = arith.cmpi eq, %iota3A, %eq3A : vector<896x128xi32>
    %convert_element_type3A = arith.extui %eq3A_58 : vector<896x128xi1> to vector<896x128xi32>
    %convert_element_type3A_59 = arith.sitofp %convert_element_type3A : vector<896x128xi32> to vector<896x128xf32>
    %iota3A_60 = tpu.iota {dimensions = array<i32: 0>} : vector<896x896xi32>
    %iota3A_61 = tpu.iota {dimensions = array<i32: 1>} : vector<896x896xi32>
    %gt3A = arith.cmpi sgt, %iota3A_60, %iota3A_61 : vector<896x896xi32>
    %convert_element_type3A_62 = arith.extui %gt3A : vector<896x896xi1> to vector<896x896xi32>
    %convert_element_type3A_63 = arith.sitofp %convert_element_type3A_62 : vector<896x896xi32> to vector<896x896xf32>
    %dot_general3A_64 = arith.constant dense<0.000000e+00> : vector<896x128xf32>
    %dot_general3A_65 = tpu.matmul %convert_element_type3A_63, %convert_element_type3A_59, %dot_general3A_64 {dimension_numbers = #tpu.dot_dimension_numbers<[1], [0], [0], [1], [0, 0, 1, 1], [], []>, transpose_lhs_hint = false} : vector<896x896xf32>, vector<896x128xf32>, vector<896x128xf32> -> vector<896x128xf32>
    %reduce_sum3A_66 = arith.constant dense<0.000000e+00> : vector<128xf32>
    %reduce_sum3A_67 = vector.multi_reduction <add>, %convert_element_type3A_59, %reduce_sum3A_66 [0] : vector<896x128xf32> to vector<128xf32>
    %broadcast_in_dim3A_68 = vector.shape_cast %reduce_sum3A_67 : vector<128xf32> to vector<1x128xf32>
    %iota3A_69 = tpu.iota {dimensions = array<i32: 0>} : vector<128x128xi32>
    %iota3A_70 = tpu.iota {dimensions = array<i32: 1>} : vector<128x128xi32>
    %lt3A_71 = arith.cmpi slt, %iota3A_69, %iota3A_70 : vector<128x128xi32>
    %convert_element_type3A_72 = arith.extui %lt3A_71 : vector<128x128xi1> to vector<128x128xi32>
    %convert_element_type3A_73 = arith.sitofp %convert_element_type3A_72 : vector<128x128xi32> to vector<128x128xf32>
    %dot_general3A_74 = arith.constant dense<0.000000e+00> : vector<1x128xf32>
    %dot_general3A_75 = tpu.matmul %broadcast_in_dim3A_68, %convert_element_type3A_73, %dot_general3A_74 {dimension_numbers = #tpu.dot_dimension_numbers<[1], [0], [0], [1], [0, 0, 1, 1], [], []>, transpose_lhs_hint = false} : vector<1x128xf32>, vector<128x128xf32>, vector<1x128xf32> -> vector<1x128xf32>
    %convert_element_type3A_76 = arith.fptosi %dot_general3A_75 : vector<1x128xf32> to vector<1x128xi32>
    %swap3A_77 = arith.constant 0 : index
    %swap3A_78 = arith.constant 0 : index
    %swap3A_79 = vector.load %arg9[%swap3A_77, %swap3A_78] : memref<1x128xi32, #tpu.memory_space<vmem>>, vector<1x128xi32>
    tpu.vector_store %arg9[%swap3A_77, %swap3A_78], %convert_element_type3A_76 {strides = array<i32>} : memref<1x128xi32, #tpu.memory_space<vmem>>, vector<1x128xi32>,
    %add3A_80 = vector.broadcast %dot_general3A_75 : vector<1x128xf32> to vector<896x128xf32>
    %add3A_81 = arith.addf %add3A_80, %dot_general3A_65 : vector<896x128xf32>
    %mul3A_82 = arith.mulf %convert_element_type3A_59, %add3A_81 : vector<896x128xf32>
    %reduce_sum3A_83 = arith.constant dense<0.000000e+00> : vector<896xf32>
    %reduce_sum3A_84 = vector.multi_reduction <add>, %mul3A_82, %reduce_sum3A_83 [1] : vector<896x128xf32> to vector<896xf32>
    %broadcast_in_dim3A_85 = vector.shape_cast %reduce_sum3A_84 : vector<896xf32> to vector<896x1xf32>
    %convert_element_type3A_86 = arith.fptosi %broadcast_in_dim3A_85 : vector<896x1xf32> to vector<896x1xi32>
    %swap3A_87 = arith.constant 0 : index
    %swap3A_88 = arith.constant 0 : index
    %swap3A_89 = vector.load %arg7[%swap3A_87, %swap3A_88] : memref<896x1xi32, #tpu.memory_space<vmem>>, vector<896x1xi32>
    tpu.vector_store %arg7[%swap3A_87, %swap3A_88], %convert_element_type3A_86 {strides = array<i32>} : memref<896x1xi32, #tpu.memory_space<vmem>>, vector<896x1xi32>,
    %iota3A_90 = tpu.iota {dimensions = array<i32: 1>} : vector<896x896xi32>
    %iota3A_91 = tpu.iota {dimensions = array<i32: 0>} : vector<896x896xi32>
    %eq3A_92 = vector.broadcast %convert_element_type3A_86 : vector<896x1xi32> to vector<896x896xi32>
    %eq3A_93 = arith.cmpi eq, %eq3A_92, %iota3A_90 : vector<896x896xi32>
    %convert_element_type3A_94 = arith.extui %eq3A_93 : vector<896x896xi1> to vector<896x896xi32>
    %mul3A_95 = arith.muli %convert_element_type3A_94, %iota3A_91 : vector<896x896xi32>
    %reduce_sum3A_96 = arith.constant dense<0> : vector<896xi32>
    %reduce_sum3A_97 = vector.multi_reduction <add>, %mul3A_95, %reduce_sum3A_96 [0] : vector<896x896xi32> to vector<896xi32>
    %broadcast_in_dim3A_98 = vector.shape_cast %reduce_sum3A_97 : vector<896xi32> to vector<1x896xi32>
    %swap3A_99 = arith.constant 0 : index
    %swap3A_100 = arith.constant 0 : index
    %swap3A_101 = vector.load %arg6[%swap3A_99, %swap3A_100] : memref<1x896xi32, #tpu.memory_space<vmem>>, vector<1x896xi32>
    tpu.vector_store %arg6[%swap3A_99, %swap3A_100], %broadcast_in_dim3A_98 {strides = array<i32>} : memref<1x896xi32, #tpu.memory_space<vmem>>, vector<1x896xi32>,
    return
  }
  func.func @transform_0(%arg0: i32) -> (i32, i32) {
    %c0_i32 = arith.constant 0 : i32
    %c0_i32_0 = arith.constant 0 : i32
    %c0_i32_1 = arith.constant 0 : i32
    return %c0_i32, %c0_i32_0 : i32, i32
  }
  func.func @transform_1(%arg0: i32) -> (i32, i32) {
    %c0_i32 = arith.constant 0 : i32
    %c0_i32_0 = arith.constant 0 : i32
    %c0_i32_1 = arith.constant 0 : i32
    return %c0_i32, %c0_i32_0 : i32, i32
  }
  func.func @transform_2(%arg0: i32) -> (i32, i32) {
    %c0_i32 = arith.constant 0 : i32
    %c0_i32_0 = arith.constant 0 : i32
    %c0_i32_1 = arith.constant 0 : i32
    return %c0_i32, %c0_i32_0 : i32, i32
  }
  func.func @transform_3(%arg0: i32) -> (i32, i32) {
    %c0_i32 = arith.constant 0 : i32
    %c0_i32_0 = arith.constant 0 : i32
    %c0_i32_1 = arith.constant 0 : i32
    return %c0_i32, %c0_i32_0 : i32, i32
  }
  func.func @transform_4(%arg0: i32) -> (i32, i32) {
    %c0_i32 = arith.constant 0 : i32
    %c0_i32_0 = arith.constant 0 : i32
    %c0_i32_1 = arith.constant 0 : i32
    return %c0_i32, %c0_i32_0 : i32, i32
  }
  func.func @transform_5(%arg0: i32) -> (i32, i32) {
    %c0_i32 = arith.constant 0 : i32
    %c0_i32_0 = arith.constant 0 : i32
    %c0_i32_1 = arith.constant 0 : i32
    return %c0_i32, %c0_i32_0 : i32, i32
  }
  func.func @transform_6(%arg0: i32) -> (i32, i32) {
    %c0_i32 = arith.constant 0 : i32
    %c0_i32_0 = arith.constant 0 : i32
    %c0_i32_1 = arith.constant 0 : i32
    return %c0_i32, %c0_i32_0 : i32, i32
  }
  func.func @transform_7(%arg0: i32) -> (i32, i32) {
    %c0_i32 = arith.constant 0 : i32
    %c0_i32_0 = arith.constant 0 : i32
    %c0_i32_1 = arith.constant 0 : i32
    return %c0_i32, %c0_i32_0 : i32, i32
  }
  func.func @transform_8(%arg0: i32) -> (i32, i32) {
    %c0_i32 = arith.constant 0 : i32
    %c0_i32_0 = arith.constant 0 : i32
    %c0_i32_1 = arith.constant 0 : i32
    return %c0_i32, %c0_i32_0 : i32, i32
  }
}

module attributes {stable_mosaic.version = 14 : i64} {
  func.func @_sffn_body(%arg0: i32, %arg1: memref<896x768xf32, #tpu.memory_space<vmem>>, %arg2: memref<768x768xf32, #tpu.memory_space<vmem>>, %arg3: memref<1x768xf32, #tpu.memory_space<vmem>>, %arg4: memref<768x768xf32, #tpu.memory_space<vmem>>, %arg5: memref<1x768xf32, #tpu.memory_space<vmem>>, %arg6: memref<896x768xf32, #tpu.memory_space<vmem>>) attributes {dimension_semantics = [#tpu.dimension_semantics<arbitrary>], iteration_bounds = array<i64: 4>, scalar_prefetch = 0 : i64, scratch_operands = 0 : i64, tpu.core_type = #tpu.core_type<tc>, window_params = [{pipeline_mode = #tpu.pipeline_mode<synchronous>, transform_indices = @transform_0, window_bounds = array<i64: 896, 768>}, {transform_indices = @transform_1, window_bounds = array<i64: 768, 768>}, {transform_indices = @transform_2, window_bounds = array<i64: 1, 768>}, {transform_indices = @transform_3, window_bounds = array<i64: 768, 768>}, {pipeline_mode = #tpu.pipeline_mode<synchronous>, transform_indices = @transform_4, window_bounds = array<i64: 1, 768>}, {pipeline_mode = #tpu.pipeline_mode<synchronous>, transform_indices = @transform_5, window_bounds = array<i64: 896, 768>}]} {
    %get3A = arith.constant 0 : index
    %get3A_0 = arith.constant 0 : index
    %get3A_1 = vector.load %arg1[%get3A, %get3A_0] : memref<896x768xf32, #tpu.memory_space<vmem>>, vector<896x768xf32>
    %get3A_2 = arith.constant 0 : index
    %get3A_3 = arith.constant 0 : index
    %get3A_4 = vector.load %arg2[%get3A_2, %get3A_3] : memref<768x768xf32, #tpu.memory_space<vmem>>, vector<768x768xf32>
    %dot_general3A = arith.constant dense<0.000000e+00> : vector<896x768xf32>
    %dot_general3A_5 = tpu.matmul %get3A_1, %get3A_4, %dot_general3A {dimension_numbers = #tpu.dot_dimension_numbers<[1], [0], [0], [1], [0, 0, 1, 1], [], []>, transpose_lhs_hint = false} : vector<896x768xf32>, vector<768x768xf32>, vector<896x768xf32> -> vector<896x768xf32>
    %get3A_6 = arith.constant 0 : index
    %get3A_7 = arith.constant 0 : index
    %get3A_8 = vector.load %arg3[%get3A_6, %get3A_7] : memref<1x768xf32, #tpu.memory_space<vmem>>, vector<1x768xf32>
    %add3A = vector.broadcast %get3A_8 : vector<1x768xf32> to vector<896x768xf32>
    %add3A_9 = arith.addf %dot_general3A_5, %add3A : vector<896x768xf32>
    %integer_pow3A = arith.mulf %add3A_9, %add3A_9 : vector<896x768xf32>
    %integer_pow3A_10 = arith.mulf %add3A_9, %integer_pow3A : vector<896x768xf32>
    %mul3A = arith.constant 4.471500e-02 : f32
    %mul3A_11 = vector.broadcast %mul3A : f32 to vector<896x768xf32>
    %mul3A_12 = arith.mulf %mul3A_11, %integer_pow3A_10 : vector<896x768xf32>
    %add3A_13 = arith.addf %add3A_9, %mul3A_12 : vector<896x768xf32>
    %mul3A_14 = arith.constant 0.797884583 : f32
    %mul3A_15 = vector.broadcast %mul3A_14 : f32 to vector<896x768xf32>
    %mul3A_16 = arith.mulf %mul3A_15, %add3A_13 : vector<896x768xf32>
    %tanh3A = math.tanh %mul3A_16 : vector<896x768xf32>
    %add3A_17 = arith.constant 1.000000e+00 : f32
    %add3A_18 = vector.broadcast %add3A_17 : f32 to vector<896x768xf32>
    %add3A_19 = arith.addf %add3A_18, %tanh3A : vector<896x768xf32>
    %mul3A_20 = arith.constant 5.000000e-01 : f32
    %mul3A_21 = vector.broadcast %mul3A_20 : f32 to vector<896x768xf32>
    %mul3A_22 = arith.mulf %mul3A_21, %add3A_19 : vector<896x768xf32>
    %mul3A_23 = arith.mulf %add3A_9, %mul3A_22 : vector<896x768xf32>
    %get3A_24 = arith.constant 0 : index
    %get3A_25 = arith.constant 0 : index
    %get3A_26 = vector.load %arg4[%get3A_24, %get3A_25] : memref<768x768xf32, #tpu.memory_space<vmem>>, vector<768x768xf32>
    %dot_general3A_27 = arith.constant dense<0.000000e+00> : vector<896x768xf32>
    %dot_general3A_28 = tpu.matmul %mul3A_23, %get3A_26, %dot_general3A_27 {dimension_numbers = #tpu.dot_dimension_numbers<[1], [0], [0], [1], [0, 0, 1, 1], [], []>, transpose_lhs_hint = false} : vector<896x768xf32>, vector<768x768xf32>, vector<896x768xf32> -> vector<896x768xf32>
    %eq3A = arith.constant 0 : i32
    %eq3A_29 = arith.cmpi eq, %arg0, %eq3A : i32
    %convert_element_type3A = arith.extui %eq3A_29 : i1 to i32
    %cond3A = arith.constant 0 : i32
    %cond3A_30 = arith.cmpi ne, %convert_element_type3A, %cond3A : i32
    scf.if %cond3A_30 {
      %get3A_35 = arith.constant 0 : index
      %get3A_36 = arith.constant 0 : index
      %get3A_37 = vector.load %arg5[%get3A_35, %get3A_36] : memref<1x768xf32, #tpu.memory_space<vmem>>, vector<1x768xf32>
      %add3A_38 = vector.broadcast %get3A_37 : vector<1x768xf32> to vector<896x768xf32>
      %add3A_39 = arith.addf %add3A_38, %dot_general3A_28 : vector<896x768xf32>
      %swap3A = arith.constant 0 : index
      %swap3A_40 = arith.constant 0 : index
      %swap3A_41 = vector.load %arg6[%swap3A, %swap3A_40] : memref<896x768xf32, #tpu.memory_space<vmem>>, vector<896x768xf32>
      tpu.vector_store %arg6[%swap3A, %swap3A_40], %add3A_39 {strides = array<i32>} : memref<896x768xf32, #tpu.memory_space<vmem>>, vector<896x768xf32>,
    } else {
    }
    %ne3A = arith.constant 0 : i32
    %ne3A_31 = arith.cmpi ne, %arg0, %ne3A : i32
    %convert_element_type3A_32 = arith.extui %ne3A_31 : i1 to i32
    %cond3A_33 = arith.constant 0 : i32
    %cond3A_34 = arith.cmpi ne, %convert_element_type3A_32, %cond3A_33 : i32
    scf.if %cond3A_34 {
      %get3A_35 = arith.constant 0 : index
      %get3A_36 = arith.constant 0 : index
      %get3A_37 = vector.load %arg6[%get3A_35, %get3A_36] : memref<896x768xf32, #tpu.memory_space<vmem>>, vector<896x768xf32>
      %add3A_38 = arith.addf %get3A_37, %dot_general3A_28 : vector<896x768xf32>
      %swap3A = arith.constant 0 : index
      %swap3A_39 = arith.constant 0 : index
      %swap3A_40 = vector.load %arg6[%swap3A, %swap3A_39] : memref<896x768xf32, #tpu.memory_space<vmem>>, vector<896x768xf32>
      tpu.vector_store %arg6[%swap3A, %swap3A_39], %add3A_38 {strides = array<i32>} : memref<896x768xf32, #tpu.memory_space<vmem>>, vector<896x768xf32>,
    } else {
    }
    return
  }
  func.func @transform_0(%arg0: i32) -> (i32, i32) {
    %c0_i32 = arith.constant 0 : i32
    %c0_i32_0 = arith.constant 0 : i32
    %c0_i32_1 = arith.constant 0 : i32
    return %c0_i32, %c0_i32_0 : i32, i32
  }
  func.func @transform_1(%arg0: i32) -> (i32, i32) {
    %c0_i32 = arith.constant 0 : i32
    %c0_i32_0 = arith.constant 0 : i32
    return %c0_i32, %arg0 : i32, i32
  }
  func.func @transform_2(%arg0: i32) -> (i32, i32) {
    %c0_i32 = arith.constant 0 : i32
    %c0_i32_0 = arith.constant 0 : i32
    return %c0_i32, %arg0 : i32, i32
  }
  func.func @transform_3(%arg0: i32) -> (i32, i32) {
    %c0_i32 = arith.constant 0 : i32
    %c0_i32_0 = arith.constant 0 : i32
    return %arg0, %c0_i32 : i32, i32
  }
  func.func @transform_4(%arg0: i32) -> (i32, i32) {
    %c0_i32 = arith.constant 0 : i32
    %c0_i32_0 = arith.constant 0 : i32
    %c0_i32_1 = arith.constant 0 : i32
    return %c0_i32, %c0_i32_0 : i32, i32
  }
  func.func @transform_5(%arg0: i32) -> (i32, i32) {
    %c0_i32 = arith.constant 0 : i32
    %c0_i32_0 = arith.constant 0 : i32
    %c0_i32_1 = arith.constant 0 : i32
    return %c0_i32, %c0_i32_0 : i32, i32
  }
}

module attributes {stable_mosaic.version = 14 : i64} {
  func.func @_moe_ffn_body(%arg0: i32, %arg1: i32, %arg2: memref<1x128xi32, #tpu.memory_space<smem>>, %arg3: memref<1024x768xf32, #tpu.memory_space<vmem>>, %arg4: memref<1x768x1536xf32, #tpu.memory_space<vmem>>, %arg5: memref<1x1x1536xf32, #tpu.memory_space<vmem>>, %arg6: memref<1x1536x768xf32, #tpu.memory_space<vmem>>, %arg7: memref<1x1x768xf32, #tpu.memory_space<vmem>>, %arg8: memref<1024x768xf32, #tpu.memory_space<vmem>>) attributes {dimension_semantics = [#tpu.dimension_semantics<arbitrary>, #tpu.dimension_semantics<arbitrary>], iteration_bounds = array<i64: 8, 2>, scalar_prefetch = 0 : i64, scratch_operands = 0 : i64, tpu.core_type = #tpu.core_type<tc>, window_params = [{transform_indices = @transform_0, window_bounds = array<i64: 1, 128>}, {pipeline_mode = #tpu.pipeline_mode<synchronous>, transform_indices = @transform_1, window_bounds = array<i64: 1024, 768>}, {transform_indices = @transform_2, window_bounds = array<i64: 1, 768, 1536>}, {transform_indices = @transform_3, window_bounds = array<i64: 1, 1, 1536>}, {transform_indices = @transform_4, window_bounds = array<i64: 1, 1536, 768>}, {transform_indices = @transform_5, window_bounds = array<i64: 1, 1, 768>}, {pipeline_mode = #tpu.pipeline_mode<synchronous>, transform_indices = @transform_6, window_bounds = array<i64: 1024, 768>}]} {
    %get3A = arith.constant 0 : index
    %get3A_0 = arith.index_cast %arg0 : i32 to index
    %get3A_1 = memref.load %arg2[%get3A, %get3A_0] : memref<1x128xi32, #tpu.memory_space<smem>>
    %add3A = arith.constant 1 : i32
    %add3A_2 = arith.addi %arg0, %add3A : i32
    %get3A_3 = arith.constant 0 : index
    %get3A_4 = arith.index_cast %add3A_2 : i32 to index
    %get3A_5 = memref.load %arg2[%get3A_3, %get3A_4] : memref<1x128xi32, #tpu.memory_space<smem>>
    %jit3A = arith.constant 8 : i32
    %div3A = arith.divsi %get3A_1, %jit3A : i32
    %sign3A = arith.constant 0 : i32
    %sign3A_6 = arith.cmpi sgt, %get3A_1, %sign3A : i32
    %sign3A_7 = arith.extui %sign3A_6 : i1 to i32
    %sign3A_8 = arith.constant 0 : i32
    %sign3A_9 = arith.cmpi slt, %get3A_1, %sign3A_8 : i32
    %sign3A_10 = arith.extui %sign3A_9 : i1 to i32
    %sign3A_11 = arith.subi %sign3A_7, %sign3A_10 : i32
    %sign3A_12 = arith.constant 0 : i32
    %sign3A_13 = arith.cmpi sgt, %jit3A, %sign3A_12 : i32
    %sign3A_14 = arith.extui %sign3A_13 : i1 to i32
    %sign3A_15 = arith.constant 0 : i32
    %sign3A_16 = arith.cmpi slt, %jit3A, %sign3A_15 : i32
    %sign3A_17 = arith.extui %sign3A_16 : i1 to i32
    %sign3A_18 = arith.subi %sign3A_14, %sign3A_17 : i32
    %ne3A = arith.cmpi ne, %sign3A_11, %sign3A_18 : i32
    %rem3A = arith.remsi %get3A_1, %jit3A : i32
    %ne3A_19 = arith.constant 0 : i32
    %ne3A_20 = arith.cmpi ne, %rem3A, %ne3A_19 : i32
    %and3A = arith.andi %ne3A, %ne3A_20 : i1
    %sub3A = arith.constant 1 : i32
    %sub3A_21 = arith.subi %div3A, %sub3A : i32
    %select_n3A = arith.select %and3A, %sub3A_21, %div3A : i32
    %mul3A = arith.constant 8 : i32
    %mul3A_22 = arith.muli %select_n3A, %mul3A : i32
    %sub3A_23 = arith.subi %get3A_5, %mul3A_22 : i32
    %add3A_24 = arith.constant 128 : i32
    %add3A_25 = arith.addi %sub3A_23, %add3A_24 : i32
    %sub3A_26 = arith.constant 1 : i32
    %sub3A_27 = arith.subi %add3A_25, %sub3A_26 : i32
    %jit3A_28 = arith.constant 128 : i32
    %div3A_29 = arith.divsi %sub3A_27, %jit3A_28 : i32
    %sign3A_30 = arith.constant 0 : i32
    %sign3A_31 = arith.cmpi sgt, %sub3A_27, %sign3A_30 : i32
    %sign3A_32 = arith.extui %sign3A_31 : i1 to i32
    %sign3A_33 = arith.constant 0 : i32
    %sign3A_34 = arith.cmpi slt, %sub3A_27, %sign3A_33 : i32
    %sign3A_35 = arith.extui %sign3A_34 : i1 to i32
    %sign3A_36 = arith.subi %sign3A_32, %sign3A_35 : i32
    %sign3A_37 = arith.constant 0 : i32
    %sign3A_38 = arith.cmpi sgt, %jit3A_28, %sign3A_37 : i32
    %sign3A_39 = arith.extui %sign3A_38 : i1 to i32
    %sign3A_40 = arith.constant 0 : i32
    %sign3A_41 = arith.cmpi slt, %jit3A_28, %sign3A_40 : i32
    %sign3A_42 = arith.extui %sign3A_41 : i1 to i32
    %sign3A_43 = arith.subi %sign3A_39, %sign3A_42 : i32
    %ne3A_44 = arith.cmpi ne, %sign3A_36, %sign3A_43 : i32
    %rem3A_45 = arith.remsi %sub3A_27, %jit3A_28 : i32
    %ne3A_46 = arith.constant 0 : i32
    %ne3A_47 = arith.cmpi ne, %rem3A_45, %ne3A_46 : i32
    %and3A_48 = arith.andi %ne3A_44, %ne3A_47 : i1
    %sub3A_49 = arith.constant 1 : i32
    %sub3A_50 = arith.subi %div3A_29, %sub3A_49 : i32
    %select_n3A_51 = arith.select %and3A_48, %sub3A_50, %div3A_29 : i32
    %get3A_52 = arith.constant 0 : index
    %get3A_53 = arith.constant 0 : index
    %get3A_54 = arith.constant 0 : index
    %get3A_55 = vector.load %arg4[%get3A_52, %get3A_53, %get3A_54] : memref<1x768x1536xf32, #tpu.memory_space<vmem>>, vector<1x768x1536xf32>
    %get3A_56 = vector.shape_cast %get3A_55 : vector<1x768x1536xf32> to vector<768x1536xf32>
    %get3A_57 = arith.constant 0 : index
    %get3A_58 = arith.constant 0 : index
    %get3A_59 = arith.constant 0 : index
    %get3A_60 = vector.load %arg5[%get3A_57, %get3A_58, %get3A_59] : memref<1x1x1536xf32, #tpu.memory_space<vmem>>, vector<1x1x1536xf32>
    %get3A_61 = vector.shape_cast %get3A_60 : vector<1x1x1536xf32> to vector<1x1536xf32>
    %get3A_62 = arith.constant 0 : index
    %get3A_63 = arith.constant 0 : index
    %get3A_64 = arith.constant 0 : index
    %get3A_65 = vector.load %arg6[%get3A_62, %get3A_63, %get3A_64] : memref<1x1536x768xf32, #tpu.memory_space<vmem>>, vector<1x1536x768xf32>
    %get3A_66 = vector.shape_cast %get3A_65 : vector<1x1536x768xf32> to vector<1536x768xf32>
    %get3A_67 = arith.constant 0 : index
    %get3A_68 = arith.constant 0 : index
    %get3A_69 = arith.constant 0 : index
    %get3A_70 = vector.load %arg7[%get3A_67, %get3A_68, %get3A_69] : memref<1x1x768xf32, #tpu.memory_space<vmem>>, vector<1x1x768xf32>
    %get3A_71 = vector.shape_cast %get3A_70 : vector<1x1x768xf32> to vector<1x768xf32>
    %while3A = arith.constant 0 : i32
    %while3A_72 = arith.constant 0 : i32
    %while3A_73 = arith.subi %select_n3A_51, %while3A : i32
    %while3A_74 = arith.addi %while3A, %while3A_73 : i32
    %while3A_75 = arith.constant 1 : i32
    %while3A_76 = arith.divsi %while3A_73, %while3A_75 : i32
    %while3A_77 = arith.muli %while3A_76, %while3A_75 : i32
    %while3A_78 = arith.addi %while3A, %while3A_77 : i32
    %while3A_79 = arith.constant 1 : i32
    %while3A_80 = scf.for %while3A_83 = %while3A to %while3A_78 step %while3A_79 iter_args(%while3A_84 = %while3A_72) -> (i32)  : i32 {
      %mul3A_85 = arith.constant 128 : i32
      %mul3A_86 = arith.muli %while3A_83, %mul3A_85 : i32
      %add3A_87 = arith.addi %mul3A_22, %mul3A_86 : i32
      %get3A_88 = arith.index_cast %add3A_87 : i32 to index
      %get3A_89 = arith.constant 0 : index
      %get3A_90 = vector.load %arg3[%get3A_88, %get3A_89] : memref<1024x768xf32, #tpu.memory_space<vmem>>, vector<128x768xf32>
      %dot_general3A = arith.constant dense<0.000000e+00> : vector<128x1536xf32>
      %dot_general3A_91 = tpu.matmul %get3A_90, %get3A_56, %dot_general3A {dimension_numbers = #tpu.dot_dimension_numbers<[1], [0], [0], [1], [0, 0, 1, 1], [], []>, transpose_lhs_hint = false} : vector<128x768xf32>, vector<768x1536xf32>, vector<128x1536xf32> -> vector<128x1536xf32>
      %add3A_92 = vector.broadcast %get3A_61 : vector<1x1536xf32> to vector<128x1536xf32>
      %add3A_93 = arith.addf %dot_general3A_91, %add3A_92 : vector<128x1536xf32>
      %integer_pow3A = arith.mulf %add3A_93, %add3A_93 : vector<128x1536xf32>
      %integer_pow3A_94 = arith.mulf %add3A_93, %integer_pow3A : vector<128x1536xf32>
      %mul3A_95 = arith.constant 4.471500e-02 : f32
      %mul3A_96 = vector.broadcast %mul3A_95 : f32 to vector<128x1536xf32>
      %mul3A_97 = arith.mulf %mul3A_96, %integer_pow3A_94 : vector<128x1536xf32>
      %add3A_98 = arith.addf %add3A_93, %mul3A_97 : vector<128x1536xf32>
      %mul3A_99 = arith.constant 0.797884583 : f32
      %mul3A_100 = vector.broadcast %mul3A_99 : f32 to vector<128x1536xf32>
      %mul3A_101 = arith.mulf %mul3A_100, %add3A_98 : vector<128x1536xf32>
      %tanh3A = math.tanh %mul3A_101 : vector<128x1536xf32>
      %add3A_102 = arith.constant 1.000000e+00 : f32
      %add3A_103 = vector.broadcast %add3A_102 : f32 to vector<128x1536xf32>
      %add3A_104 = arith.addf %add3A_103, %tanh3A : vector<128x1536xf32>
      %mul3A_105 = arith.constant 5.000000e-01 : f32
      %mul3A_106 = vector.broadcast %mul3A_105 : f32 to vector<128x1536xf32>
      %mul3A_107 = arith.mulf %mul3A_106, %add3A_104 : vector<128x1536xf32>
      %mul3A_108 = arith.mulf %add3A_93, %mul3A_107 : vector<128x1536xf32>
      %dot_general3A_109 = arith.constant dense<0.000000e+00> : vector<128x768xf32>
      %dot_general3A_110 = tpu.matmul %mul3A_108, %get3A_66, %dot_general3A_109 {dimension_numbers = #tpu.dot_dimension_numbers<[1], [0], [0], [1], [0, 0, 1, 1], [], []>, transpose_lhs_hint = false} : vector<128x1536xf32>, vector<1536x768xf32>, vector<128x768xf32> -> vector<128x768xf32>
      %get3A_111 = arith.index_cast %add3A_87 : i32 to index
      %get3A_112 = arith.constant 0 : index
      %get3A_113 = vector.load %arg8[%get3A_111, %get3A_112] : memref<1024x768xf32, #tpu.memory_space<vmem>>, vector<128x768xf32>
      %eq3A = arith.constant 0 : i32
      %eq3A_114 = arith.cmpi eq, %arg1, %eq3A : i32
      %add3A_115 = vector.broadcast %get3A_71 : vector<1x768xf32> to vector<128x768xf32>
      %add3A_116 = arith.addf %dot_general3A_110, %add3A_115 : vector<128x768xf32>
      %add3A_117 = arith.addf %dot_general3A_110, %get3A_113 : vector<128x768xf32>
      %select_n3A_118 = arith.select %eq3A_114, %add3A_116, %add3A_117 : vector<128x768xf32>
      %iota3A = tpu.iota {dimensions = array<i32: 0>} : vector<128x768xi32>
      %add3A_119 = vector.broadcast %add3A_87 : i32 to vector<128x768xi32>
      %add3A_120 = arith.addi %add3A_119, %iota3A : vector<128x768xi32>
      %ge3A = vector.broadcast %get3A_1 : i32 to vector<128x768xi32>
      %ge3A_121 = arith.cmpi sge, %add3A_120, %ge3A : vector<128x768xi32>
      %lt3A = vector.broadcast %get3A_5 : i32 to vector<128x768xi32>
      %lt3A_122 = arith.cmpi slt, %add3A_120, %lt3A : vector<128x768xi32>
      %and3A_123 = arith.andi %ge3A_121, %lt3A_122 : vector<128x768xi1>
      %select_n3A_124 = arith.select %and3A_123, %select_n3A_118, %get3A_113 : vector<128x768xi1>, vector<128x768xf32>
      %swap3A = arith.index_cast %add3A_87 : i32 to index
      %swap3A_125 = arith.constant 0 : index
      %swap3A_126 = vector.load %arg8[%swap3A, %swap3A_125] : memref<1024x768xf32, #tpu.memory_space<vmem>>, vector<128x768xf32>
      tpu.vector_store %arg8[%swap3A, %swap3A_125], %select_n3A_124 {strides = array<i32>} : memref<1024x768xf32, #tpu.memory_space<vmem>>, vector<128x768xf32>,
      %while3A_127 = arith.constant 0 : i32
      scf.yield %while3A_127 : i32
    }
    %while3A_81 = arith.constant 1 : i32
    %while3A_82 = scf.for %while3A_83 = %while3A_78 to %while3A_74 step %while3A_81 iter_args(%while3A_84 = %while3A_80) -> (i32)  : i32 {
      %mul3A_85 = arith.constant 128 : i32
      %mul3A_86 = arith.muli %while3A_83, %mul3A_85 : i32
      %add3A_87 = arith.addi %mul3A_22, %mul3A_86 : i32
      %get3A_88 = arith.index_cast %add3A_87 : i32 to index
      %get3A_89 = arith.constant 0 : index
      %get3A_90 = vector.load %arg3[%get3A_88, %get3A_89] : memref<1024x768xf32, #tpu.memory_space<vmem>>, vector<128x768xf32>
      %dot_general3A = arith.constant dense<0.000000e+00> : vector<128x1536xf32>
      %dot_general3A_91 = tpu.matmul %get3A_90, %get3A_56, %dot_general3A {dimension_numbers = #tpu.dot_dimension_numbers<[1], [0], [0], [1], [0, 0, 1, 1], [], []>, transpose_lhs_hint = false} : vector<128x768xf32>, vector<768x1536xf32>, vector<128x1536xf32> -> vector<128x1536xf32>
      %add3A_92 = vector.broadcast %get3A_61 : vector<1x1536xf32> to vector<128x1536xf32>
      %add3A_93 = arith.addf %dot_general3A_91, %add3A_92 : vector<128x1536xf32>
      %integer_pow3A = arith.mulf %add3A_93, %add3A_93 : vector<128x1536xf32>
      %integer_pow3A_94 = arith.mulf %add3A_93, %integer_pow3A : vector<128x1536xf32>
      %mul3A_95 = arith.constant 4.471500e-02 : f32
      %mul3A_96 = vector.broadcast %mul3A_95 : f32 to vector<128x1536xf32>
      %mul3A_97 = arith.mulf %mul3A_96, %integer_pow3A_94 : vector<128x1536xf32>
      %add3A_98 = arith.addf %add3A_93, %mul3A_97 : vector<128x1536xf32>
      %mul3A_99 = arith.constant 0.797884583 : f32
      %mul3A_100 = vector.broadcast %mul3A_99 : f32 to vector<128x1536xf32>
      %mul3A_101 = arith.mulf %mul3A_100, %add3A_98 : vector<128x1536xf32>
      %tanh3A = math.tanh %mul3A_101 : vector<128x1536xf32>
      %add3A_102 = arith.constant 1.000000e+00 : f32
      %add3A_103 = vector.broadcast %add3A_102 : f32 to vector<128x1536xf32>
      %add3A_104 = arith.addf %add3A_103, %tanh3A : vector<128x1536xf32>
      %mul3A_105 = arith.constant 5.000000e-01 : f32
      %mul3A_106 = vector.broadcast %mul3A_105 : f32 to vector<128x1536xf32>
      %mul3A_107 = arith.mulf %mul3A_106, %add3A_104 : vector<128x1536xf32>
      %mul3A_108 = arith.mulf %add3A_93, %mul3A_107 : vector<128x1536xf32>
      %dot_general3A_109 = arith.constant dense<0.000000e+00> : vector<128x768xf32>
      %dot_general3A_110 = tpu.matmul %mul3A_108, %get3A_66, %dot_general3A_109 {dimension_numbers = #tpu.dot_dimension_numbers<[1], [0], [0], [1], [0, 0, 1, 1], [], []>, transpose_lhs_hint = false} : vector<128x1536xf32>, vector<1536x768xf32>, vector<128x768xf32> -> vector<128x768xf32>
      %get3A_111 = arith.index_cast %add3A_87 : i32 to index
      %get3A_112 = arith.constant 0 : index
      %get3A_113 = vector.load %arg8[%get3A_111, %get3A_112] : memref<1024x768xf32, #tpu.memory_space<vmem>>, vector<128x768xf32>
      %eq3A = arith.constant 0 : i32
      %eq3A_114 = arith.cmpi eq, %arg1, %eq3A : i32
      %add3A_115 = vector.broadcast %get3A_71 : vector<1x768xf32> to vector<128x768xf32>
      %add3A_116 = arith.addf %dot_general3A_110, %add3A_115 : vector<128x768xf32>
      %add3A_117 = arith.addf %dot_general3A_110, %get3A_113 : vector<128x768xf32>
      %select_n3A_118 = arith.select %eq3A_114, %add3A_116, %add3A_117 : vector<128x768xf32>
      %iota3A = tpu.iota {dimensions = array<i32: 0>} : vector<128x768xi32>
      %add3A_119 = vector.broadcast %add3A_87 : i32 to vector<128x768xi32>
      %add3A_120 = arith.addi %add3A_119, %iota3A : vector<128x768xi32>
      %ge3A = vector.broadcast %get3A_1 : i32 to vector<128x768xi32>
      %ge3A_121 = arith.cmpi sge, %add3A_120, %ge3A : vector<128x768xi32>
      %lt3A = vector.broadcast %get3A_5 : i32 to vector<128x768xi32>
      %lt3A_122 = arith.cmpi slt, %add3A_120, %lt3A : vector<128x768xi32>
      %and3A_123 = arith.andi %ge3A_121, %lt3A_122 : vector<128x768xi1>
      %select_n3A_124 = arith.select %and3A_123, %select_n3A_118, %get3A_113 : vector<128x768xi1>, vector<128x768xf32>
      %swap3A = arith.index_cast %add3A_87 : i32 to index
      %swap3A_125 = arith.constant 0 : index
      %swap3A_126 = vector.load %arg8[%swap3A, %swap3A_125] : memref<1024x768xf32, #tpu.memory_space<vmem>>, vector<128x768xf32>
      tpu.vector_store %arg8[%swap3A, %swap3A_125], %select_n3A_124 {strides = array<i32>} : memref<1024x768xf32, #tpu.memory_space<vmem>>, vector<128x768xf32>,
      %while3A_127 = arith.constant 0 : i32
      scf.yield %while3A_127 : i32
    }
    return
  }
  func.func @transform_0(%arg0: i32, %arg1: i32) -> (i32, i32) {
    %c0_i32 = arith.constant 0 : i32
    %c0_i32_0 = arith.constant 0 : i32
    %c0_i32_1 = arith.constant 0 : i32
    return %c0_i32, %c0_i32_0 : i32, i32
  }
  func.func @transform_1(%arg0: i32, %arg1: i32) -> (i32, i32) {
    %c0_i32 = arith.constant 0 : i32
    %c0_i32_0 = arith.constant 0 : i32
    %c0_i32_1 = arith.constant 0 : i32
    return %c0_i32, %c0_i32_0 : i32, i32
  }
  func.func @transform_2(%arg0: i32, %arg1: i32) -> (i32, i32, i32) {
    %c0_i32 = arith.constant 0 : i32
    %c0_i32_0 = arith.constant 0 : i32
    return %arg0, %c0_i32, %arg1 : i32, i32, i32
  }
  func.func @transform_3(%arg0: i32, %arg1: i32) -> (i32, i32, i32) {
    %c0_i32 = arith.constant 0 : i32
    %c0_i32_0 = arith.constant 0 : i32
    return %arg0, %c0_i32, %arg1 : i32, i32, i32
  }
  func.func @transform_4(%arg0: i32, %arg1: i32) -> (i32, i32, i32) {
    %c0_i32 = arith.constant 0 : i32
    %c0_i32_0 = arith.constant 0 : i32
    return %arg0, %arg1, %c0_i32 : i32, i32, i32
  }
  func.func @transform_5(%arg0: i32, %arg1: i32) -> (i32, i32, i32) {
    %c0_i32 = arith.constant 0 : i32
    %c0_i32_0 = arith.constant 0 : i32
    %c0_i32_1 = arith.constant 0 : i32
    return %arg0, %c0_i32, %c0_i32_0 : i32, i32, i32
  }
  func.func @transform_6(%arg0: i32, %arg1: i32) -> (i32, i32) {
    %c0_i32 = arith.constant 0 : i32
    %c0_i32_0 = arith.constant 0 : i32
    %c0_i32_1 = arith.constant 0 : i32
    return %c0_i32, %c0_i32_0 : i32, i32
  }
}

module attributes {stable_mosaic.version = 14 : i64} {
  func.func @_combine_body(%arg0: i32, %arg1: memref<896x768xf32, #tpu.memory_space<vmem>>, %arg2: memref<896x1xi32, #tpu.memory_space<vmem>>, %arg3: memref<896x1xf32, #tpu.memory_space<vmem>>, %arg4: memref<896x768xf32, #tpu.memory_space<vmem>>, %arg5: memref<896x768xf32, #tpu.memory_space<vmem>>, %arg6: memref<896x768xf32, #tpu.memory_space<vmem>>) attributes {dimension_semantics = [#tpu.dimension_semantics<arbitrary>], iteration_bounds = array<i64: 1>, scalar_prefetch = 0 : i64, scratch_operands = 0 : i64, tpu.core_type = #tpu.core_type<tc>, window_params = [{pipeline_mode = #tpu.pipeline_mode<synchronous>, transform_indices = @transform_0, window_bounds = array<i64: 896, 768>}, {pipeline_mode = #tpu.pipeline_mode<synchronous>, transform_indices = @transform_1, window_bounds = array<i64: 896, 1>}, {pipeline_mode = #tpu.pipeline_mode<synchronous>, transform_indices = @transform_2, window_bounds = array<i64: 896, 1>}, {pipeline_mode = #tpu.pipeline_mode<synchronous>, transform_indices = @transform_3, window_bounds = array<i64: 896, 768>}, {pipeline_mode = #tpu.pipeline_mode<synchronous>, transform_indices = @transform_4, window_bounds = array<i64: 896, 768>}, {pipeline_mode = #tpu.pipeline_mode<synchronous>, transform_indices = @transform_5, window_bounds = array<i64: 896, 768>}]} {
    %get3A = arith.constant 0 : index
    %get3A_0 = arith.constant 0 : index
    %get3A_1 = vector.load %arg2[%get3A, %get3A_0] : memref<896x1xi32, #tpu.memory_space<vmem>>, vector<896x1xi32>
    %iota3A = tpu.iota {dimensions = array<i32: 1>} : vector<896x896xi32>
    %eq3A = vector.broadcast %get3A_1 : vector<896x1xi32> to vector<896x896xi32>
    %eq3A_2 = arith.cmpi eq, %eq3A, %iota3A : vector<896x896xi32>
    %convert_element_type3A = arith.extui %eq3A_2 : vector<896x896xi1> to vector<896x896xi32>
    %convert_element_type3A_3 = arith.sitofp %convert_element_type3A : vector<896x896xi32> to vector<896x896xf32>
    %get3A_4 = arith.constant 0 : index
    %get3A_5 = arith.constant 0 : index
    %get3A_6 = vector.load %arg4[%get3A_4, %get3A_5] : memref<896x768xf32, #tpu.memory_space<vmem>>, vector<896x768xf32>
    %dot_general3A = arith.constant dense<0.000000e+00> : vector<896x768xf32>
    %dot_general3A_7 = tpu.matmul %convert_element_type3A_3, %get3A_6, %dot_general3A {dimension_numbers = #tpu.dot_dimension_numbers<[1], [0], [0], [1], [0, 0, 1, 1], [], []>, transpose_lhs_hint = false} : vector<896x896xf32>, vector<896x768xf32>, vector<896x768xf32> -> vector<896x768xf32>
    %get3A_8 = arith.constant 0 : index
    %get3A_9 = arith.constant 0 : index
    %get3A_10 = vector.load %arg1[%get3A_8, %get3A_9] : memref<896x768xf32, #tpu.memory_space<vmem>>, vector<896x768xf32>
    %get3A_11 = arith.constant 0 : index
    %get3A_12 = arith.constant 0 : index
    %get3A_13 = vector.load %arg3[%get3A_11, %get3A_12] : memref<896x1xf32, #tpu.memory_space<vmem>>, vector<896x1xf32>
    %mul3A = vector.broadcast %get3A_13 : vector<896x1xf32> to vector<896x768xf32>
    %mul3A_14 = arith.mulf %mul3A, %dot_general3A_7 : vector<896x768xf32>
    %add3A = arith.addf %get3A_10, %mul3A_14 : vector<896x768xf32>
    %get3A_15 = arith.constant 0 : index
    %get3A_16 = arith.constant 0 : index
    %get3A_17 = vector.load %arg5[%get3A_15, %get3A_16] : memref<896x768xf32, #tpu.memory_space<vmem>>, vector<896x768xf32>
    %mul3A_18 = arith.constant 1.000000e-01 : f32
    %mul3A_19 = vector.broadcast %mul3A_18 : f32 to vector<896x768xf32>
    %mul3A_20 = arith.mulf %mul3A_19, %get3A_17 : vector<896x768xf32>
    %add3A_21 = arith.addf %add3A, %mul3A_20 : vector<896x768xf32>
    %swap3A = arith.constant 0 : index
    %swap3A_22 = arith.constant 0 : index
    %swap3A_23 = vector.load %arg6[%swap3A, %swap3A_22] : memref<896x768xf32, #tpu.memory_space<vmem>>, vector<896x768xf32>
    tpu.vector_store %arg6[%swap3A, %swap3A_22], %add3A_21 {strides = array<i32>} : memref<896x768xf32, #tpu.memory_space<vmem>>, vector<896x768xf32>,
    return
  }
  func.func @transform_0(%arg0: i32) -> (i32, i32) {
    %c0_i32 = arith.constant 0 : i32
    %c0_i32_0 = arith.constant 0 : i32
    %c0_i32_1 = arith.constant 0 : i32
    return %c0_i32, %c0_i32_0 : i32, i32
  }
  func.func @transform_1(%arg0: i32) -> (i32, i32) {
    %c0_i32 = arith.constant 0 : i32
    %c0_i32_0 = arith.constant 0 : i32
    %c0_i32_1 = arith.constant 0 : i32
    return %c0_i32, %c0_i32_0 : i32, i32
  }
  func.func @transform_2(%arg0: i32) -> (i32, i32) {
    %c0_i32 = arith.constant 0 : i32
    %c0_i32_0 = arith.constant 0 : i32
    %c0_i32_1 = arith.constant 0 : i32
    return %c0_i32, %c0_i32_0 : i32, i32
  }
  func.func @transform_3(%arg0: i32) -> (i32, i32) {
    %c0_i32 = arith.constant 0 : i32
    %c0_i32_0 = arith.constant 0 : i32
    %c0_i32_1 = arith.constant 0 : i32
    return %c0_i32, %c0_i32_0 : i32, i32
  }
  func.func @transform_4(%arg0: i32) -> (i32, i32) {
    %c0_i32 = arith.constant 0 : i32
    %c0_i32_0 = arith.constant 0 : i32
    %c0_i32_1 = arith.constant 0 : i32
    return %c0_i32, %c0_i32_0 : i32, i32
  }
  func.func @transform_5(%arg0: i32) -> (i32, i32) {
    %c0_i32 = arith.constant 0 : i32
    %c0_i32_0 = arith.constant 0 : i32
    %c0_i32_1 = arith.constant 0 : i32
    return %c0_i32, %c0_i32_0 : i32, i32
  }
}

module attributes {stable_mosaic.version = 14 : i64} {
  func.func @_final_body(%arg0: i32, %arg1: memref<1x224x768xf32, #tpu.memory_space<vmem>>, %arg2: memref<1x768xf32, #tpu.memory_space<vmem>>, %arg3: memref<1x768xf32, #tpu.memory_space<vmem>>, %arg4: memref<1x224x768xf32, #tpu.memory_space<vmem>>, %arg5: memref<1x1x768xf32, #tpu.memory_space<vmem>>) attributes {dimension_semantics = [#tpu.dimension_semantics<arbitrary>], iteration_bounds = array<i64: 4>, scalar_prefetch = 0 : i64, scratch_operands = 0 : i64, tpu.core_type = #tpu.core_type<tc>, window_params = [{transform_indices = @transform_0, window_bounds = array<i64: 1, 224, 768>}, {pipeline_mode = #tpu.pipeline_mode<synchronous>, transform_indices = @transform_1, window_bounds = array<i64: 1, 768>}, {pipeline_mode = #tpu.pipeline_mode<synchronous>, transform_indices = @transform_2, window_bounds = array<i64: 1, 768>}, {transform_indices = @transform_3, window_bounds = array<i64: 1, 224, 768>}, {transform_indices = @transform_4, window_bounds = array<i64: 1, 1, 768>}]} {
    %get3A = arith.constant 0 : index
    %get3A_0 = arith.constant 0 : index
    %get3A_1 = arith.constant 0 : index
    %get3A_2 = vector.load %arg1[%get3A, %get3A_0, %get3A_1] : memref<1x224x768xf32, #tpu.memory_space<vmem>>, vector<1x224x768xf32>
    %get3A_3 = vector.shape_cast %get3A_2 : vector<1x224x768xf32> to vector<224x768xf32>
    %get3A_4 = arith.constant 0 : index
    %get3A_5 = arith.constant 0 : index
    %get3A_6 = vector.load %arg2[%get3A_4, %get3A_5] : memref<1x768xf32, #tpu.memory_space<vmem>>, vector<1x768xf32>
    %get3A_7 = arith.constant 0 : index
    %get3A_8 = arith.constant 0 : index
    %get3A_9 = vector.load %arg3[%get3A_7, %get3A_8] : memref<1x768xf32, #tpu.memory_space<vmem>>, vector<1x768xf32>
    %reduce_sum3A = arith.constant dense<0.000000e+00> : vector<224xf32>
    %reduce_sum3A_10 = vector.multi_reduction <add>, %get3A_3, %reduce_sum3A [1] : vector<224x768xf32> to vector<224xf32>
    %broadcast_in_dim3A = vector.shape_cast %reduce_sum3A_10 : vector<224xf32> to vector<224x1xf32>
    %div3A = arith.constant 7.680000e+02 : f32
    %div3A_11 = vector.broadcast %div3A : f32 to vector<224x1xf32>
    %div3A_12 = arith.divf %broadcast_in_dim3A, %div3A_11 : vector<224x1xf32>
    %sub3A = vector.broadcast %div3A_12 : vector<224x1xf32> to vector<224x768xf32>
    %sub3A_13 = arith.subf %get3A_3, %sub3A : vector<224x768xf32>
    %integer_pow3A = arith.mulf %sub3A_13, %sub3A_13 : vector<224x768xf32>
    %reduce_sum3A_14 = arith.constant dense<0.000000e+00> : vector<224xf32>
    %reduce_sum3A_15 = vector.multi_reduction <add>, %integer_pow3A, %reduce_sum3A_14 [1] : vector<224x768xf32> to vector<224xf32>
    %broadcast_in_dim3A_16 = vector.shape_cast %reduce_sum3A_15 : vector<224xf32> to vector<224x1xf32>
    %div3A_17 = arith.constant 7.680000e+02 : f32
    %div3A_18 = vector.broadcast %div3A_17 : f32 to vector<224x1xf32>
    %div3A_19 = arith.divf %broadcast_in_dim3A_16, %div3A_18 : vector<224x1xf32>
    %sub3A_20 = vector.broadcast %div3A_12 : vector<224x1xf32> to vector<224x768xf32>
    %sub3A_21 = arith.subf %get3A_3, %sub3A_20 : vector<224x768xf32>
    %add3A = arith.constant 9.99999997E-7 : f32
    %add3A_22 = vector.broadcast %add3A : f32 to vector<224x1xf32>
    %add3A_23 = arith.addf %div3A_19, %add3A_22 : vector<224x1xf32>
    %sqrt3A = math.sqrt %add3A_23 : vector<224x1xf32>
    %div3A_24 = vector.broadcast %sqrt3A : vector<224x1xf32> to vector<224x768xf32>
    %div3A_25 = arith.divf %sub3A_21, %div3A_24 : vector<224x768xf32>
    %mul3A = vector.broadcast %get3A_6 : vector<1x768xf32> to vector<224x768xf32>
    %mul3A_26 = arith.mulf %div3A_25, %mul3A : vector<224x768xf32>
    %add3A_27 = vector.broadcast %get3A_9 : vector<1x768xf32> to vector<224x768xf32>
    %add3A_28 = arith.addf %mul3A_26, %add3A_27 : vector<224x768xf32>
    %swap3A = arith.constant 0 : index
    %swap3A_29 = arith.constant 0 : index
    %swap3A_30 = arith.constant 0 : index
    %swap3A_31 = vector.load %arg4[%swap3A, %swap3A_29, %swap3A_30] : memref<1x224x768xf32, #tpu.memory_space<vmem>>, vector<1x224x768xf32>
    %swap3A_32 = vector.shape_cast %swap3A_31 : vector<1x224x768xf32> to vector<224x768xf32>
    %swap3A_33 = vector.shape_cast %add3A_28 : vector<224x768xf32> to vector<1x224x768xf32>
    tpu.vector_store %arg4[%swap3A, %swap3A_29, %swap3A_30], %swap3A_33 {strides = array<i32>} : memref<1x224x768xf32, #tpu.memory_space<vmem>>, vector<1x224x768xf32>,
    %iota3A = tpu.iota {dimensions = array<i32: 0>} : vector<224x768xi32>
    %lt3A = arith.constant 196 : i32
    %lt3A_34 = vector.broadcast %lt3A : i32 to vector<224x768xi32>
    %lt3A_35 = arith.cmpi slt, %iota3A, %lt3A_34 : vector<224x768xi32>
    %jit3A = arith.constant 0.000000e+00 : f32
    %broadcast_in_dim3A_36 = vector.broadcast %jit3A : f32 to vector<224x768xf32>
    %select_n3A = arith.select %lt3A_35, %add3A_28, %broadcast_in_dim3A_36 : vector<224x768xi1>, vector<224x768xf32>
    %reduce_sum3A_37 = arith.constant dense<0.000000e+00> : vector<768xf32>
    %reduce_sum3A_38 = vector.multi_reduction <add>, %select_n3A, %reduce_sum3A_37 [0] : vector<224x768xf32> to vector<768xf32>
    %broadcast_in_dim3A_39 = vector.shape_cast %reduce_sum3A_38 : vector<768xf32> to vector<1x768xf32>
    %mul3A_40 = arith.constant 0.00510204071 : f32
    %mul3A_41 = vector.broadcast %mul3A_40 : f32 to vector<1x768xf32>
    %mul3A_42 = arith.mulf %broadcast_in_dim3A_39, %mul3A_41 : vector<1x768xf32>
    %swap3A_43 = arith.constant 0 : index
    %swap3A_44 = arith.constant 0 : index
    %swap3A_45 = arith.constant 0 : index
    %swap3A_46 = vector.load %arg5[%swap3A_43, %swap3A_44, %swap3A_45] : memref<1x1x768xf32, #tpu.memory_space<vmem>>, vector<1x1x768xf32>
    %swap3A_47 = vector.shape_cast %swap3A_46 : vector<1x1x768xf32> to vector<1x768xf32>
    %swap3A_48 = vector.shape_cast %mul3A_42 : vector<1x768xf32> to vector<1x1x768xf32>
    tpu.vector_store %arg5[%swap3A_43, %swap3A_44, %swap3A_45], %swap3A_48 {strides = array<i32>} : memref<1x1x768xf32, #tpu.memory_space<vmem>>, vector<1x1x768xf32>,
    return
  }
  func.func @transform_0(%arg0: i32) -> (i32, i32, i32) {
    %c0_i32 = arith.constant 0 : i32
    %c0_i32_0 = arith.constant 0 : i32
    %c0_i32_1 = arith.constant 0 : i32
    return %arg0, %c0_i32, %c0_i32_0 : i32, i32, i32
  }
  func.func @transform_1(%arg0: i32) -> (i32, i32) {
    %c0_i32 = arith.constant 0 : i32
    %c0_i32_0 = arith.constant 0 : i32
    %c0_i32_1 = arith.constant 0 : i32
    return %c0_i32, %c0_i32_0 : i32, i32
  }
  func.func @transform_2(%arg0: i32) -> (i32, i32) {
    %c0_i32 = arith.constant 0 : i32
    %c0_i32_0 = arith.constant 0 : i32
    %c0_i32_1 = arith.constant 0 : i32
    return %c0_i32, %c0_i32_0 : i32, i32
  }
  func.func @transform_3(%arg0: i32) -> (i32, i32, i32) {
    %c0_i32 = arith.constant 0 : i32
    %c0_i32_0 = arith.constant 0 : i32
    %c0_i32_1 = arith.constant 0 : i32
    return %arg0, %c0_i32, %c0_i32_0 : i32, i32, i32
  }
  func.func @transform_4(%arg0: i32) -> (i32, i32, i32) {
    %c0_i32 = arith.constant 0 : i32
    %c0_i32_0 = arith.constant 0 : i32
    %c0_i32_1 = arith.constant 0 : i32
    return %arg0, %c0_i32, %c0_i32_0 : i32, i32, i32
  }
}

</mosaic_0001>

<sc_bundles>
// kernel: kernel.26.cloned.1.call-start
scs
__scs_entry_jumppad:
0x0: {  	(pc) =	sbr.rel $0x88, $3  }
0x1: {  	(tag) =	ssettag $0x0;
	lr =	simm.s32 $0x1  }
0x2: {  	[smem:$0x3ED1] =	sst lr;
	_ =	strace $0xD0000000  }
0x3: {  	_ = 	snop  }
0x4: {  	_ = 	snop  }
0x5: {  	_ = 	snop  }
0x6: {  	_ = 	snop  }
0x7: {  	_ = 	snop  }
__scs_overlays_trampoline_lowered:
0x8: {  	[smem:$0x3EE0] =	sst s0  }
0x9: {  	[smem:$0x3EE1] =	sst s1  }
0xa: {  	[smem:$0x3EE2] =	sst s2  }
0xb: {  	[smem:$0x3EE3] =	sst s3  }
0xc: {  	[smem:$0x3EE4] =	sst s4  }
0xd: {  	[smem:$0x3EE5] =	sst s5  }
0xe: {  	[smem:$0x3EE6] =	sst s6  }
0xf: {  	[smem:$0x3EE7] =	sst s7  }
0x10: {  	[smem:$0x3EE8] =	sst s8  }
0x11: {  	[smem:$0x3EE9] =	sst s9;
	s0 =	simm.s32 @!p0 $0x0  }
0x12: {  	s1 =	sld [smem:$0x3ECF];
	s0 =	simm.s32 @p0 $0x1  }
0x13: {  	[smem:$0x3EEA] =	sst s0;
	s0 =	simm.s32 @!p1 $0x0  }
0x14: {  	s2 =	sld [smem:$0x3ECE];
	s0 =	simm.s32 @p1 $0x1  }
0x15: {  	[smem:$0x3EEB] =	sst s0;
	s0 =	simm.s32 @!p2 $0x0  }
0x16: {  	s3 =	sld [smem:$0x3FDB];
	s0 =	simm.s32 @p2 $0x1  }
0x17: {  	s4 =	simm.s32 $0x1BF5;
	[smem:$0x3EED] =	sst s0  }
0x18: {  	s0 =	sld [smem:$0x3ED0];
	_ =	swait.ge [sflag:s4], $0x0  }
0x19: {  	s7 =	sld [smem:$0x3ED1]  }
0x1a: {  	s8 =	sadd.s32 $0xFFFFE003, lr  }
0x1b: {  	s9 =	sadd.s32 $0xFFFFFEF7, lr;
	s5 =	simm.s32 $0xFFFFFFFF;
	p2 =	slt.u32 s8, $0xFFFFF086  }
0x1c: {  	p1 =	slt.u32 s9, $0xF7A;
	s5 =	simm.s32 @!p2 $0x0  }
0x1d: {  	s5 =	simm.s32 @p1 $0x1;
	p0 =	seq.s32 s7, s2  }
0x1e: {  	s7 =	smul.u32 @!p0 $0xF7A, s2;
	p2 =	seq.s32 @!p0 s5, $0x0  }
0x1f: {  	s9 =	smul.u32 $0xF7A, s1;
	s8 =	simm.s32 @!p0 $0x1BF5;
	p2 =	por !p2, p0  }
0x20: {  	[sflag:s8] =	ssyncset.s32 @!p0 $0xFFFFF086;
	s6 =	sadd.s32 @!p0 s3, s7;
	s7 =	simm.s32 @!p0 $0x108  }
0x21: {  	s3 =	sadd.s32 s3, s9;
	s6 =	sadd.s32 @!p0 $0x88, s6;
	s7 =	simm.s32 @p2 $0x1082  }
0x22: {  	[simem:s7], [sflag:s8] =	dma.local @!p0 [hbm:s6], $0xF7A  }
0x23: {  	s9 =	sor.u32 $0xD0000000, s2;
	s6 =	simm.s32 $0x108;
	_ =	swait.ge @!p0 [sflag:s8], $0x0  }
0x24: {  	s3 =	sadd.s32 $0x88, s3;
	s6 =	simm.s32 @!p1 $0x1082;
	[sflag:s4] =	ssyncset.s32 $0xFFFFF086  }
0x25: {  	[simem:s6], [sflag:s4] =	dma.local [hbm:s3], $0xF7A  }
0x26: {  	[smem:$0x3ED1] =	sst s1;
	(tag) =	ssettag s2;
	_ =	strace s9  }
0x27: {  	s1 =	sld [smem:$0x3EE1]  }
0x28: {  	s2 =	sld [smem:$0x3EE2]  }
0x29: {  	s4 =	sld [smem:$0x3EE4]  }
0x2a: {  	p0 =	seq.s32 s5, $0x0;
	s5 =	sld [smem:$0x3EE5]  }
0x2b: {  	s6 =	sld [smem:$0x3EE6]  }
0x2c: {  	s7 =	sld [smem:$0x3EE7]  }
0x2d: {  	s3 =	simm.s32 $0x108;
	s8 =	sld [smem:$0x3EE8]  }
0x2e: {  	s3 =	simm.s32 @!p0 $0x1082;
	s9 =	sld [smem:$0x3EE9]  }
0x2f: {  	lr =	sadd.s32 s0, s3;
	s0 =	sld [smem:$0x3EE0]  }
0x30: {  	s3 =	sld [smem:$0x3EE3]  }
0x31: {  	[smem:$0x3EEC] =	sst s10  }
0x32: {  	s10 =	sld [smem:$0x3EEA];
	_ =	sdelay $0x3  }
0x33: {  	p0 =	seq.s32 s10, $0x1;
	s10 =	sld [smem:$0x3EEC];
	_ =	sdelay $0x3  }
0x34: {  	[smem:$0x3EEC] =	sst s10  }
0x35: {  	s10 =	sld [smem:$0x3EEB];
	_ =	sdelay $0x3  }
0x36: {  	p1 =	seq.s32 s10, $0x1;
	s10 =	sld [smem:$0x3EEC];
	_ =	sdelay $0x3  }
0x37: {  	[smem:$0x3EEC] =	sst s10  }
0x38: {  	s10 =	sld [smem:$0x3EED]  }
0x39: {  	_ = 	snop;
	(pc) =	sbr.ind lr, $3  }
0x3a: {  	_ = 	snop  }
0x3b: {  	_ = 	snop  }
0x3c: {  	p2 =	seq.s32 s10, $0x1;
	s10 =	sld [smem:$0x3EEC]  }
0x3d: {  	_ =	shalt  }
0x3e: {  	_ =	shalt  }
0x3f: {  	_ =	shalt  }
0x40: {  	_ =	shalt  }
0x41: {  	_ =	shalt  }
0x42: {  	_ =	shalt  }
0x43: {  	_ =	shalt  }
0x44: {  	_ =	shalt  }
0x45: {  	_ =	shalt  }
0x46: {  	_ =	shalt  }
0x47: {  	_ =	shalt  }
0x48: {  	_ =	shalt  }
0x49: {  	_ =	shalt  }
0x4a: {  	_ =	shalt  }
0x4b: {  	_ =	shalt  }
0x4c: {  	_ =	shalt  }
0x4d: {  	_ =	shalt  }
0x4e: {  	_ =	shalt  }
0x4f: {  	_ =	shalt  }
0x50: {  	_ =	shalt  }
0x51: {  	_ =	shalt  }
0x52: {  	_ =	shalt  }
0x53: {  	_ =	shalt  }
0x54: {  	_ =	shalt  }
0x55: {  	_ =	shalt  }
0x56: {  	_ =	shalt  }
0x57: {  	_ =	shalt  }
0x58: {  	_ =	shalt  }
0x59: {  	_ =	shalt  }
0x5a: {  	_ =	shalt  }
0x5b: {  	_ =	shalt  }
0x5c: {  	_ =	shalt  }
0x5d: {  	_ =	shalt  }
0x5e: {  	_ =	shalt  }
0x5f: {  	_ =	shalt  }
0x60: {  	_ =	shalt  }
0x61: {  	_ =	shalt  }
0x62: {  	_ =	shalt  }
0x63: {  	_ =	shalt  }
0x64: {  	_ =	shalt  }
0x65: {  	_ =	shalt  }
0x66: {  	_ =	shalt  }
0x67: {  	_ =	shalt  }
0x68: {  	_ =	shalt  }
0x69: {  	_ =	shalt  }
0x6a: {  	_ =	shalt  }
0x6b: {  	_ =	shalt  }
0x6c: {  	_ =	shalt  }
0x6d: {  	_ =	shalt  }
0x6e: {  	_ =	shalt  }
0x6f: {  	_ =	shalt  }
0x70: {  	_ =	shalt  }
0x71: {  	_ =	shalt  }
0x72: {  	_ =	shalt  }
0x73: {  	_ =	shalt  }
0x74: {  	_ =	shalt  }
0x75: {  	_ =	shalt  }
0x76: {  	_ =	shalt  }
0x77: {  	_ =	shalt  }
0x78: {  	_ =	shalt  }
0x79: {  	_ =	shalt  }
0x7a: {  	_ =	shalt  }
0x7b: {  	_ =	shalt  }
0x7c: {  	_ =	shalt  }
0x7d: {  	_ =	shalt  }
0x7e: {  	_ =	shalt  }
0x7f: {  	_ =	shalt  }
0x80: {  	_ =	shalt  }
0x81: {  	_ =	shalt  }
0x82: {  	_ =	shalt  }
0x83: {  	_ =	shalt  }
0x84: {  	_ =	shalt  }
0x85: {  	_ =	shalt  }
0x86: {  	_ =	shalt  }
0x87: {  	_ =	shalt  }
.Lfunc_end0:
.L_simem_size_0:
called_computation_lowered:
.L_overlay_start_0:
0x88: {  	s2 =	sld [smem:$0x3FD9]  }
0x89: {  	s3 =	sld [smem:$0x3FFE];
	_ =	sdelay $0x1  }
0x8a: {  	s1 =	srdreg.scid  }
0x8b: {  	s0 =	sand.u32 $0x1, s1  }
0x8c: {  	s14 =	sshll.u32 s0, $0xA;
	s2 =	sadd.s32 s3, s2  }
0x8d: {  	s2 =	sadd.s32 s2, s14  }
0x8e: {  	[smem:$0x3EF8] =	sst s2  }
0x8f: {  	_ = 	snop  }
0x90: {  	s2 =	sld [smem:$0x3FD0];
	_ =	sdelay $0x2  }
0x91: {  	s15 =	simm.s32 $0xA;
	s4 =	simm.s32 $0x10  }
0x92: {  	[smem:s4], [sflag:s15] =	dma.local [hbm:s2], $0x1  }
0x93: {  	_ =	swait.eq [sflag:s15], $0x1  }
0x94: {  	[sflag:s15] =	ssyncset.done $0x0  }
0x95: {  	[sflag:s15] =	ssyncadd.s32 $0xFFFFFFFF  }
0x96: {  	s16 =	sld [smem:$0x12];
	(tm) =	ssettm $0x1  }
0x97: {  	s17 =	sld [smem:$0x3FFB];
	_ =	sdelay $0x3  }
0x98: {  	_ =	strace s17  }
0x99: {  	s3 =	sld [smem:$0x3FFC];
	_ =	sdelay $0x3  }
0x9a: {  	_ =	strace s3  }
0x9b: {  	s3 =	sld [smem:$0x3FFD];
	_ =	sdelay $0x3  }
0x9c: {  	_ =	strace s3  }
0x9d: {  	_ =	strace $0x8FFFFFFF  }
0x9e: {  	s18 =	sld [smem:$0x3FDB];
	_ =	sdelay $0x1  }
0x9f: {  	s19 =	simm.s32 $_scs_section_size  }
0xa0: {  	s5 =	simm.s32 $_size__tile_overlayer_lowered;
	s6 =	simm.s32 $_tile_overlayer_lowered  }
0xa1: {  	s22 =	simm.s32 $0x1BFF;
	s21 =	sshll.u32 s6, $0x1;
	s3 =	sadd.s32 s19, s18  }
0xa2: {  	s7 =	simm.s32 $0x0;
	s20 =	sshll.u32 s5, $0x1;
	s5 =	sadd.s32 s21, s3  }
0xa3: {  	[timem:s7], [sflag:s22] =	dma.local [hbm:s5], s20  }
0xa4: {  	_ =	swait.ge [sflag:s22], s20  }
0xa5: {  	s4 =	ssub.s32 $0x0, s20;
	[sflag:s22] =	ssyncset.done $0x0  }
0xa6: {  	[sflag:s22] =	ssyncadd.s32 s4;
	_ =	sdelay $0x1  }
0xa7: {  	s23 =	simm.s32 $0x1B8B  }
0xa8: {  	_ =	swait.ge [sflag:s23], $0x1  }
0xa9: {  	[sflag:s23] =	ssyncset.done $0x0  }
0xaa: {  	s25 =	simm.s32 $0x1B8E;
	s24 =	sld [smem:$0x3FFE];
	[sflag:s23] =	ssyncadd.s32 $0xFFFFFFFF  }
0xab: {  	s26 =	simm.s32 $execute0_lowered;
	[smem:$0x3FD2] =	sst s25  }
0xac: {  	s5 =	sshll.u32 s26, $0x1;
	_ =	strace $0x80000046;
	[dreg:$0x1] =	wrdreg $0xFFFFFFFF  }
0xad: {  	s28 =	simm.s32 $_size_execute0_lowered;
	s3 =	sadd.s32 s3, s5;
	[dreg:$0x0] =	wrdreg $0x0  }
0xae: {  	s5 =	sshll.u32 s28, $0x1;
	[dreg:$0x2] =	wrdreg s3  }
0xaf: {  	[dreg:$0x3] =	wrdreg s5  }
0xb0: {  	[dreg:$0x4] =	wrdreg $0xC0  }
0xb1: {  	_ =	task [dreg:s7], $0x5FFFF  }
0xb2: {  	[dreg:$0x1] =	wrdreg $0xFFFFFFFF  }
0xb3: {  	[dreg:$0x0] =	wrdreg $0x60  }
0xb4: {  	[dreg:$0x2] =	wrdreg s24  }
0xb5: {  	[dreg:$0x3] =	wrdreg s16  }
0xb6: {  	[dreg:$0x4] =	wrdreg $0x9  }
0xb7: {  	_ =	task.clear_ibuf [dreg:s7], $0x5FFFF;
	_ =	strace $0x90000046  }
0xb8: {  	s29 =	simm.s32 $0x9;
	_ =	strace $0x80000048  }
0xb9: {  	_ =	swait.ge [sflag:s29], $0x1  }
0xba: {  	[sflag:s29] =	ssyncadd.s32 $0xFFFFFFFF  }
0xbb: {  	_ =	strace $0x90000048  }
0xbc: {  	_ =	sfence  }
0xbd: {  	s30 =	sld [smem:$0x0];
	_ =	sdelay $0x2  }
0xbe: {  	s31 =	sshll.u32 s1, $0xD;
	s1 =	sshrl.u32 s1, $0x2  }
0xbf: {  	s3 =	sand.u32 $0x4000, s31;
	s1 =	sadd.s32 s1, s30  }
0xc0: {  	s0 =	sor.u32 s3, s0;
	s1 =	sshll.u32 s1, $0x11  }
0xc1: {  	s0 =	sor.u32 s1, s0  }
0xc2: {  	s0 =	sadd.s32 $0x8F2B, s0  }
0xc3: {  	[sflag:s0] =	ssyncadd.remote.s32 $0x1  }
0xc4: {  	_ =	sfence.sel $0xFFFF  }
0xc5: {  	[dreg:$0x0] =	wrdreg $0xFFFFFFFF;
	(pc) =	sbr.abs _section_cstart, $3  }
0xc6: {  	[dreg:$0x1] =	wrdreg $0xFFFFFFFF  }
0xc7: {  	_ =	task.clear_ibuf [dreg:s7], $0x2FFFF;
	_ =	strace $0x9FFFFFFF  }
0xc8: {  	(tm) =	ssettm $0x7FFFFFFF  }
0xc9: {  	_ =	shalt  }
tec
execute0_lowered:
.L_overlay_start_1:
0x0: {  	(tag) =	ssettag $0x1  }
0x1: {  	s1 =	srdreg.scid;
	s6 =	rddreg [dreg:$0x0]  }
0x2: {  	s0 =	stileid.u32;
	s4 =	rddreg [dreg:$0x1]  }
0x3: {  	s2 =	simm.s32 $0x0;
	s10 =	simm.s32 $0x80;
	s11 =	simm.s32 $0x880  }
0x4: {  	s12 =	simm.s32 $0x1080;
	s13 =	simm.s32 $0x1880;
	s14 =	simm.s32 $0x2080  }
0x5: {  	s15 =	simm.s32 $0x2880;
	s16 =	simm.s32 $0x3080;
	s17 =	simm.s32 $0x3880  }
0x6: {  	s18 =	simm.s32 $0x4080;
	s19 =	simm.s32 $0x4880;
	s20 =	simm.s32 $0x5080  }
0x7: {  	s21 =	simm.s32 $0x5880;
	s22 =	simm.s32 $0x1;
	s3 =	sand.u32 $0x1, s1  }
0x8: {  	s5 =	sshll.u32 s0, $0x3;
	s1 =	rddreg [dreg:$0x2];
	s7 =	sshll.u32 s3, $0x2  }
0x9: {  	[smem:$0x7FF] =	sst s2;
	s8 =	ssub.s32 $0x2, s3;
	s5 =	sor.u32 s7, s5  }
0xa: {  	_ =	strace $0x80000047;
	s9 =	sshrl.u32 s8, $0x1;
	s7 =	smul.u32 $0x300, s5  }
0xb: {  	v2 =	vlaneseq.u32;
	s3 =	sadd.s32 $0x11200, s6;
	s8 =	ssub.s32 s8, s9;
	s4 =	sadd.s32 s4, s5  }
0xc: {  	vm0 =	vmmov $0xffff;
	v1 =	vshrl.u32 v2, $0x3;
	s5 =	sadd.s32 $0x11300, s6;
	s9 =	simm.s32 $0x2;
	s7 =	sadd.s32 s7, s6  }
0xd: {  	v0 =	vand.u32 $0x7, v2;
	v2 =	vor.u32 $0x8, v2;
	v1 =	vmul.u32 $0x8, v1;
	s8 =	smax.u32 s8, $0x1;
	s6 =	sadd.s32 $0x11400, s6;
	s7 =	sadd.s32 $0x26200, s7  }
.LBB2_1:
0xe: {  	[tilespmem:s2], [sflag:$0x2] =	stream.linear.gather [hbm4b:s4+s2], $0x20, $0x38;
	[tilespmem:$0x6080] =	vst v63  }
0xf: {  	_ =	swait.ge [sflag:s9], $0x20  }
0x10: {  	[sflag:s9] =	ssyncset.done $0x0  }
0x11: {  	[sflag:s9] =	ssyncadd.s32 $0xFFFFFFE0  }
0x12: {  	v3 =	vld [tilespmem:$0x0];
	_ =	sdelay $0x4  }
0x13: {  	v4 =	vshrl.u32 v3, $0x3  }
0x14: {  	v4 =	vmul.u32 $0x30, v4  }
0x15: {  	v3 =	vand.u32 $0x7, v3  }
0x16: {  	v3 =	vor.u32 v3, v4  }
0x17: {  	v4 =	vperm.xlane v3, v0;
	_ =	sdelay $0x1  }
0x18: {  	v4 =	vadd.s32 v1, v4;
	_ =	sdelay $0x3  }
0x19: {  	v3 =	vperm.xlane v3, v2  }
0x1a: {  	[tilespmem:s10], [sflag:$0x1] =	stream.indirect_vreg.gather [hbm4b:s3+s2], $0x80, v4, vm0, $0xb8;
	[tilespmem:$0x6080] =	vst v63  }
0x1b: {  	v3 =	vadd.s32 v1, v3  }
0x1c: {  	[tilespmem:s11], [sflag:$0x1] =	stream.indirect_vreg.gather [hbm4b:s5+s2], $0x80, v4, vm0, $0xb8;
	[tilespmem:$0x6080] =	vst v63  }
0x1d: {  	_ = 	snop  }
0x1e: {  	[tilespmem:s12], [sflag:$0x1] =	stream.indirect_vreg.gather [hbm4b:s6+s2], $0x80, v4, vm0, $0xb8;
	[tilespmem:$0x6080] =	vst v63  }
0x1f: {  	_ = 	snop  }
0x20: {  	[tilespmem:s13], [sflag:$0x1] =	stream.indirect_vreg.gather [hbm4b:s3+s2], $0x80, v3, vm0, $0xb8;
	[tilespmem:$0x6080] =	vst v63  }
0x21: {  	_ = 	snop  }
0x22: {  	[tilespmem:s14], [sflag:$0x1] =	stream.indirect_vreg.gather [hbm4b:s5+s2], $0x80, v3, vm0, $0xb8;
	[tilespmem:$0x6080] =	vst v63  }
0x23: {  	_ = 	snop  }
0x24: {  	[tilespmem:s15], [sflag:$0x1] =	stream.indirect_vreg.gather [hbm4b:s6+s2], $0x80, v3, vm0, $0xb8;
	[tilespmem:$0x6080] =	vst v63  }
0x25: {  	v3 =	vld [tilespmem:$0x10];
	_ =	sdelay $0x4  }
0x26: {  	v63 =	vshrl.u32 v3, $0x3  }
0x27: {  	v4 =	vmul.u32 $0x30, v63  }
0x28: {  	v3 =	vand.u32 $0x7, v3  }
0x29: {  	v3 =	vor.u32 v3, v4  }
0x2a: {  	v4 =	vperm.xlane v3, v0;
	_ =	sdelay $0x1  }
0x2b: {  	v4 =	vadd.s32 v1, v4;
	_ =	sdelay $0x3  }
0x2c: {  	v3 =	vperm.xlane v3, v2  }
0x2d: {  	[tilespmem:s16], [sflag:$0x1] =	stream.indirect_vreg.gather [hbm4b:s3+s2], $0x80, v4, vm0, $0xb8;
	[tilespmem:$0x6080] =	vst v63  }
0x2e: {  	v3 =	vadd.s32 v1, v3  }
0x2f: {  	[tilespmem:s17], [sflag:$0x1] =	stream.indirect_vreg.gather [hbm4b:s5+s2], $0x80, v4, vm0, $0xb8;
	[tilespmem:$0x6080] =	vst v63  }
0x30: {  	_ = 	snop  }
0x31: {  	[tilespmem:s18], [sflag:$0x1] =	stream.indirect_vreg.gather [hbm4b:s6+s2], $0x80, v4, vm0, $0xb8;
	[tilespmem:$0x6080] =	vst v63  }
0x32: {  	_ = 	snop  }
0x33: {  	[tilespmem:s19], [sflag:$0x1] =	stream.indirect_vreg.gather [hbm4b:s3+s2], $0x80, v3, vm0, $0xb8;
	[tilespmem:$0x6080] =	vst v63  }
0x34: {  	_ = 	snop  }
0x35: {  	[tilespmem:s20], [sflag:$0x1] =	stream.indirect_vreg.gather [hbm4b:s5+s2], $0x80, v3, vm0, $0xb8;
	[tilespmem:$0x6080] =	vst v63  }
0x36: {  	_ = 	snop  }
0x37: {  	[tilespmem:s21], [sflag:$0x1] =	stream.indirect_vreg.gather [hbm4b:s6+s2], $0x80, v3, vm0, $0xb8;
	[tilespmem:$0x6080] =	vst v63  }
0x38: {  	_ =	swait.ge [sflag:s22], $0x6000  }
0x39: {  	p0 =	sne.s32 s8, $0x1;
	[sflag:s22] =	ssyncset.done $0x0  }
.Ltmp0:
0x3a: {  	[sflag:s22] =	ssyncadd.s32 $0xFFFFA000;
	(pc) =	sbr.rel @p0 .LBB2_1-.Ltmp0, $4  }
0x3b: {  	[hbm4b:s7+s2] =	stream.linear.scatter [tilespmem:s10], [sflag:$0x2], $0x6000, $0x38;
	[tilespmem:$0x6080] =	vst v63  }
0x3c: {  	_ =	swait.ge [sflag:s9], $0x6000  }
0x3d: {  	[sflag:s9] =	ssyncset.done $0x0  }
0x3e: {  	s8 =	sadd.s32 $0xFFFFFFFF, s8;
	[sflag:s9] =	ssyncadd.s32 $0xFFFFA000  }
0x3f: {  	_ =	sfence.sel $0x180000  }
0x40: {  	[bflag:$0x0] =	sbarrier.arrive $0xFFFF  }
0x41: {  	p0 =	sne.s32 s0, $0x0;
	_ =	strace $0x90000047  }
0x42: {  	s0 =	sadd.s32 @!p0 $0x100000, s1;
	[bflag:$0x2] =	sbarrier.arrive $0xFFFF  }
0x43: {  	[sflag:s0] =	ssyncadd.tile.s32 @!p0 $0x1;
	_ =	shalt  }
.Lfunc_end2:
_tile_overlayer_lowered:
.L_overlay_start_2:
0x44: {  	(tag) =	ssettag $0x2  }
0x45: {  	s0 =	rddreg [dreg:$0x0];
	s2 =	stileid.u32  }
0x46: {  	s1 =	rddreg [dreg:$0x1];
	p0 =	sne.s32 s2, $0x0  }
0x47: {  	s3 =	rddreg [dreg:$0x2];
	[bflag:$0x3] =	sbarrier.arrive $0xFFFF;
	s2 =	simm.s32 @!p0 $0x1C02  }
0x48: {  	[timem:s3], [sflag:s2] =	dma.local @!p0 [hbm:s0], s1  }
0x49: {  	s0 =	simm.s32 @!p0 $0x2  }
0x4a: {  	_ =	swait.ge @!p0 [sflag:s0], s1  }
0x4b: {  	s1 =	ssub.s32 @!p0 $0x0, s1;
	[sflag:s0] =	ssyncset.done @!p0 $0x0  }
0x4c: {  	[sflag:s0] =	ssyncadd.s32 @!p0 s1  }
0x4d: {  	[bflag:$0x3] =	sbarrier.arrive $0xFFFF  }
0x4e: {  	_ =	shalt  }

// kernel: kernel.29.cloned.1.call-start
scs
__scs_entry_jumppad:
0x0: {  	(pc) =	sbr.rel $0x88, $3  }
0x1: {  	(tag) =	ssettag $0x0;
	lr =	simm.s32 $0x1  }
0x2: {  	[smem:$0x3ED1] =	sst lr;
	_ =	strace $0xD0000000  }
0x3: {  	_ = 	snop  }
0x4: {  	_ = 	snop  }
0x5: {  	_ = 	snop  }
0x6: {  	_ = 	snop  }
0x7: {  	_ = 	snop  }
__scs_overlays_trampoline_lowered:
0x8: {  	[smem:$0x3EE0] =	sst s0  }
0x9: {  	[smem:$0x3EE1] =	sst s1  }
0xa: {  	[smem:$0x3EE2] =	sst s2  }
0xb: {  	[smem:$0x3EE3] =	sst s3  }
0xc: {  	[smem:$0x3EE4] =	sst s4  }
0xd: {  	[smem:$0x3EE5] =	sst s5  }
0xe: {  	[smem:$0x3EE6] =	sst s6  }
0xf: {  	[smem:$0x3EE7] =	sst s7  }
0x10: {  	[smem:$0x3EE8] =	sst s8  }
0x11: {  	[smem:$0x3EE9] =	sst s9;
	s0 =	simm.s32 @!p0 $0x0  }
0x12: {  	s1 =	sld [smem:$0x3ECF];
	s0 =	simm.s32 @p0 $0x1  }
0x13: {  	[smem:$0x3EEA] =	sst s0;
	s0 =	simm.s32 @!p1 $0x0  }
0x14: {  	s2 =	sld [smem:$0x3ECE];
	s0 =	simm.s32 @p1 $0x1  }
0x15: {  	[smem:$0x3EEB] =	sst s0;
	s0 =	simm.s32 @!p2 $0x0  }
0x16: {  	s3 =	sld [smem:$0x3FDB];
	s0 =	simm.s32 @p2 $0x1  }
0x17: {  	s4 =	simm.s32 $0x1BF5;
	[smem:$0x3EED] =	sst s0  }
0x18: {  	s0 =	sld [smem:$0x3ED0];
	_ =	swait.ge [sflag:s4], $0x0  }
0x19: {  	s7 =	sld [smem:$0x3ED1]  }
0x1a: {  	s8 =	sadd.s32 $0xFFFFE003, lr  }
0x1b: {  	s9 =	sadd.s32 $0xFFFFFEF7, lr;
	s5 =	simm.s32 $0xFFFFFFFF;
	p2 =	slt.u32 s8, $0xFFFFF086  }
0x1c: {  	p1 =	slt.u32 s9, $0xF7A;
	s5 =	simm.s32 @!p2 $0x0  }
0x1d: {  	s5 =	simm.s32 @p1 $0x1;
	p0 =	seq.s32 s7, s2  }
0x1e: {  	s7 =	smul.u32 @!p0 $0xF7A, s2;
	p2 =	seq.s32 @!p0 s5, $0x0  }
0x1f: {  	s9 =	smul.u32 $0xF7A, s1;
	s8 =	simm.s32 @!p0 $0x1BF5;
	p2 =	por !p2, p0  }
0x20: {  	[sflag:s8] =	ssyncset.s32 @!p0 $0xFFFFF086;
	s6 =	sadd.s32 @!p0 s3, s7;
	s7 =	simm.s32 @!p0 $0x108  }
0x21: {  	s3 =	sadd.s32 s3, s9;
	s6 =	sadd.s32 @!p0 $0x88, s6;
	s7 =	simm.s32 @p2 $0x1082  }
0x22: {  	[simem:s7], [sflag:s8] =	dma.local @!p0 [hbm:s6], $0xF7A  }
0x23: {  	s9 =	sor.u32 $0xD0000000, s2;
	s6 =	simm.s32 $0x108;
	_ =	swait.ge @!p0 [sflag:s8], $0x0  }
0x24: {  	s3 =	sadd.s32 $0x88, s3;
	s6 =	simm.s32 @!p1 $0x1082;
	[sflag:s4] =	ssyncset.s32 $0xFFFFF086  }
0x25: {  	[simem:s6], [sflag:s4] =	dma.local [hbm:s3], $0xF7A  }
0x26: {  	[smem:$0x3ED1] =	sst s1;
	(tag) =	ssettag s2;
	_ =	strace s9  }
0x27: {  	s1 =	sld [smem:$0x3EE1]  }
0x28: {  	s2 =	sld [smem:$0x3EE2]  }
0x29: {  	s4 =	sld [smem:$0x3EE4]  }
0x2a: {  	p0 =	seq.s32 s5, $0x0;
	s5 =	sld [smem:$0x3EE5]  }
0x2b: {  	s6 =	sld [smem:$0x3EE6]  }
0x2c: {  	s7 =	sld [smem:$0x3EE7]  }
0x2d: {  	s3 =	simm.s32 $0x108;
	s8 =	sld [smem:$0x3EE8]  }
0x2e: {  	s3 =	simm.s32 @!p0 $0x1082;
	s9 =	sld [smem:$0x3EE9]  }
0x2f: {  	lr =	sadd.s32 s0, s3;
	s0 =	sld [smem:$0x3EE0]  }
0x30: {  	s3 =	sld [smem:$0x3EE3]  }
0x31: {  	[smem:$0x3EEC] =	sst s10  }
0x32: {  	s10 =	sld [smem:$0x3EEA];
	_ =	sdelay $0x3  }
0x33: {  	p0 =	seq.s32 s10, $0x1;
	s10 =	sld [smem:$0x3EEC];
	_ =	sdelay $0x3  }
0x34: {  	[smem:$0x3EEC] =	sst s10  }
0x35: {  	s10 =	sld [smem:$0x3EEB];
	_ =	sdelay $0x3  }
0x36: {  	p1 =	seq.s32 s10, $0x1;
	s10 =	sld [smem:$0x3EEC];
	_ =	sdelay $0x3  }
0x37: {  	[smem:$0x3EEC] =	sst s10  }
0x38: {  	s10 =	sld [smem:$0x3EED]  }
0x39: {  	_ = 	snop;
	(pc) =	sbr.ind lr, $3  }
0x3a: {  	_ = 	snop  }
0x3b: {  	_ = 	snop  }
0x3c: {  	p2 =	seq.s32 s10, $0x1;
	s10 =	sld [smem:$0x3EEC]  }
0x3d: {  	_ =	shalt  }
0x3e: {  	_ =	shalt  }
0x3f: {  	_ =	shalt  }
0x40: {  	_ =	shalt  }
0x41: {  	_ =	shalt  }
0x42: {  	_ =	shalt  }
0x43: {  	_ =	shalt  }
0x44: {  	_ =	shalt  }
0x45: {  	_ =	shalt  }
0x46: {  	_ =	shalt  }
0x47: {  	_ =	shalt  }
0x48: {  	_ =	shalt  }
0x49: {  	_ =	shalt  }
0x4a: {  	_ =	shalt  }
0x4b: {  	_ =	shalt  }
0x4c: {  	_ =	shalt  }
0x4d: {  	_ =	shalt  }
0x4e: {  	_ =	shalt  }
0x4f: {  	_ =	shalt  }
0x50: {  	_ =	shalt  }
0x51: {  	_ =	shalt  }
0x52: {  	_ =	shalt  }
0x53: {  	_ =	shalt  }
0x54: {  	_ =	shalt  }
0x55: {  	_ =	shalt  }
0x56: {  	_ =	shalt  }
0x57: {  	_ =	shalt  }
0x58: {  	_ =	shalt  }
0x59: {  	_ =	shalt  }
0x5a: {  	_ =	shalt  }
0x5b: {  	_ =	shalt  }
0x5c: {  	_ =	shalt  }
0x5d: {  	_ =	shalt  }
0x5e: {  	_ =	shalt  }
0x5f: {  	_ =	shalt  }
0x60: {  	_ =	shalt  }
0x61: {  	_ =	shalt  }
0x62: {  	_ =	shalt  }
0x63: {  	_ =	shalt  }
0x64: {  	_ =	shalt  }
0x65: {  	_ =	shalt  }
0x66: {  	_ =	shalt  }
0x67: {  	_ =	shalt  }
0x68: {  	_ =	shalt  }
0x69: {  	_ =	shalt  }
0x6a: {  	_ =	shalt  }
0x6b: {  	_ =	shalt  }
0x6c: {  	_ =	shalt  }
0x6d: {  	_ =	shalt  }
0x6e: {  	_ =	shalt  }
0x6f: {  	_ =	shalt  }
0x70: {  	_ =	shalt  }
0x71: {  	_ =	shalt  }
0x72: {  	_ =	shalt  }
0x73: {  	_ =	shalt  }
0x74: {  	_ =	shalt  }
0x75: {  	_ =	shalt  }
0x76: {  	_ =	shalt  }
0x77: {  	_ =	shalt  }
0x78: {  	_ =	shalt  }
0x79: {  	_ =	shalt  }
0x7a: {  	_ =	shalt  }
0x7b: {  	_ =	shalt  }
0x7c: {  	_ =	shalt  }
0x7d: {  	_ =	shalt  }
0x7e: {  	_ =	shalt  }
0x7f: {  	_ =	shalt  }
0x80: {  	_ =	shalt  }
0x81: {  	_ =	shalt  }
0x82: {  	_ =	shalt  }
0x83: {  	_ =	shalt  }
0x84: {  	_ =	shalt  }
0x85: {  	_ =	shalt  }
0x86: {  	_ =	shalt  }
0x87: {  	_ =	shalt  }
.Lfunc_end0:
.L_simem_size_0:
called_computation.1_lowered:
.L_overlay_start_0:
0x88: {  	s2 =	sld [smem:$0x3FD9]  }
0x89: {  	s3 =	sld [smem:$0x3FFE];
	_ =	sdelay $0x1  }
0x8a: {  	s1 =	srdreg.scid  }
0x8b: {  	s0 =	sand.u32 $0x1, s1  }
0x8c: {  	s14 =	sshll.u32 s0, $0xA;
	s2 =	sadd.s32 s3, s2  }
0x8d: {  	s2 =	sadd.s32 s2, s14  }
0x8e: {  	[smem:$0x3EF8] =	sst s2  }
0x8f: {  	_ = 	snop  }
0x90: {  	s2 =	sld [smem:$0x3FD0];
	_ =	sdelay $0x2  }
0x91: {  	s15 =	simm.s32 $0xA;
	s4 =	simm.s32 $0x10  }
0x92: {  	[smem:s4], [sflag:s15] =	dma.local [hbm:s2], $0x1  }
0x93: {  	_ =	swait.eq [sflag:s15], $0x1  }
0x94: {  	[sflag:s15] =	ssyncset.done $0x0  }
0x95: {  	[sflag:s15] =	ssyncadd.s32 $0xFFFFFFFF  }
0x96: {  	s16 =	sld [smem:$0x12];
	(tm) =	ssettm $0x1  }
0x97: {  	s17 =	sld [smem:$0x3FFB];
	_ =	sdelay $0x3  }
0x98: {  	_ =	strace s17  }
0x99: {  	s3 =	sld [smem:$0x3FFC];
	_ =	sdelay $0x3  }
0x9a: {  	_ =	strace s3  }
0x9b: {  	s3 =	sld [smem:$0x3FFD];
	_ =	sdelay $0x3  }
0x9c: {  	_ =	strace s3  }
0x9d: {  	_ =	strace $0x8FFFFFFF  }
0x9e: {  	s18 =	sld [smem:$0x3FDB];
	_ =	sdelay $0x1  }
0x9f: {  	s19 =	simm.s32 $_scs_section_size  }
0xa0: {  	s5 =	simm.s32 $_size__tile_overlayer_lowered;
	s6 =	simm.s32 $_tile_overlayer_lowered  }
0xa1: {  	s22 =	simm.s32 $0x1BFF;
	s21 =	sshll.u32 s6, $0x1;
	s3 =	sadd.s32 s19, s18  }
0xa2: {  	s7 =	simm.s32 $0x0;
	s20 =	sshll.u32 s5, $0x1;
	s5 =	sadd.s32 s21, s3  }
0xa3: {  	[timem:s7], [sflag:s22] =	dma.local [hbm:s5], s20  }
0xa4: {  	_ =	swait.ge [sflag:s22], s20  }
0xa5: {  	s4 =	ssub.s32 $0x0, s20;
	[sflag:s22] =	ssyncset.done $0x0  }
0xa6: {  	[sflag:s22] =	ssyncadd.s32 s4;
	_ =	sdelay $0x1  }
0xa7: {  	s23 =	simm.s32 $0x1B8B  }
0xa8: {  	_ =	swait.ge [sflag:s23], $0x1  }
0xa9: {  	[sflag:s23] =	ssyncset.done $0x0  }
0xaa: {  	s25 =	simm.s32 $0x1B8E;
	s24 =	sld [smem:$0x3FFE];
	[sflag:s23] =	ssyncadd.s32 $0xFFFFFFFF  }
0xab: {  	s26 =	simm.s32 $execute0_lowered;
	[smem:$0x3FD2] =	sst s25  }
0xac: {  	s5 =	sshll.u32 s26, $0x1;
	_ =	strace $0x80000049;
	[dreg:$0x1] =	wrdreg $0xFFFFFFFF  }
0xad: {  	s28 =	simm.s32 $_size_execute0_lowered;
	s3 =	sadd.s32 s3, s5;
	[dreg:$0x0] =	wrdreg $0x0  }
0xae: {  	s5 =	sshll.u32 s28, $0x1;
	[dreg:$0x2] =	wrdreg s3  }
0xaf: {  	[dreg:$0x3] =	wrdreg s5  }
0xb0: {  	[dreg:$0x4] =	wrdreg $0xC0  }
0xb1: {  	_ =	task [dreg:s7], $0x5FFFF  }
0xb2: {  	[dreg:$0x1] =	wrdreg $0xFFFFFFFF  }
0xb3: {  	[dreg:$0x0] =	wrdreg $0x60  }
0xb4: {  	[dreg:$0x2] =	wrdreg s24  }
0xb5: {  	[dreg:$0x3] =	wrdreg s16  }
0xb6: {  	[dreg:$0x4] =	wrdreg $0x9  }
0xb7: {  	_ =	task.clear_ibuf [dreg:s7], $0x5FFFF;
	_ =	strace $0x90000049  }
0xb8: {  	s29 =	simm.s32 $0x9;
	_ =	strace $0x8000004B  }
0xb9: {  	_ =	swait.ge [sflag:s29], $0x1  }
0xba: {  	[sflag:s29] =	ssyncadd.s32 $0xFFFFFFFF  }
0xbb: {  	_ =	strace $0x9000004B  }
0xbc: {  	_ =	sfence  }
0xbd: {  	s30 =	sld [smem:$0x0];
	_ =	sdelay $0x2  }
0xbe: {  	s31 =	sshll.u32 s1, $0xD;
	s1 =	sshrl.u32 s1, $0x2  }
0xbf: {  	s3 =	sand.u32 $0x4000, s31;
	s1 =	sadd.s32 s1, s30  }
0xc0: {  	s0 =	sor.u32 s3, s0;
	s1 =	sshll.u32 s1, $0x11  }
0xc1: {  	s0 =	sor.u32 s1, s0  }
0xc2: {  	s0 =	sadd.s32 $0x8F2B, s0  }
0xc3: {  	[sflag:s0] =	ssyncadd.remote.s32 $0x1  }
0xc4: {  	_ =	sfence.sel $0xFFFF  }
0xc5: {  	[dreg:$0x0] =	wrdreg $0xFFFFFFFF;
	(pc) =	sbr.abs _section_cstart, $3  }
0xc6: {  	[dreg:$0x1] =	wrdreg $0xFFFFFFFF  }
0xc7: {  	_ =	task.clear_ibuf [dreg:s7], $0x2FFFF;
	_ =	strace $0x9FFFFFFF  }
0xc8: {  	(tm) =	ssettm $0x7FFFFFFF  }
0xc9: {  	_ =	shalt  }
tec
execute0_lowered:
.L_overlay_start_1:
0x0: {  	(tag) =	ssettag $0x1  }
0x1: {  	s1 =	srdreg.scid;
	s6 =	rddreg [dreg:$0x0]  }
0x2: {  	s0 =	stileid.u32;
	s4 =	rddreg [dreg:$0x1]  }
0x3: {  	s2 =	simm.s32 $0x0;
	s10 =	simm.s32 $0x80;
	s11 =	simm.s32 $0x880  }
0x4: {  	s12 =	simm.s32 $0x1080;
	s13 =	simm.s32 $0x1880;
	s14 =	simm.s32 $0x2080  }
0x5: {  	s15 =	simm.s32 $0x2880;
	s16 =	simm.s32 $0x3080;
	s17 =	simm.s32 $0x3880  }
0x6: {  	s18 =	simm.s32 $0x4080;
	s19 =	simm.s32 $0x4880;
	s20 =	simm.s32 $0x5080  }
0x7: {  	s21 =	simm.s32 $0x5880;
	s22 =	simm.s32 $0x1;
	s3 =	sand.u32 $0x1, s1  }
0x8: {  	s5 =	sshll.u32 s0, $0x3;
	s1 =	rddreg [dreg:$0x2];
	s7 =	sshll.u32 s3, $0x2  }
0x9: {  	[smem:$0x7FF] =	sst s2;
	s8 =	ssub.s32 $0x2, s3;
	s5 =	sor.u32 s7, s5  }
0xa: {  	_ =	strace $0x8000004A;
	s9 =	sshrl.u32 s8, $0x1;
	s7 =	smul.u32 $0x300, s5  }
0xb: {  	v2 =	vlaneseq.u32;
	s3 =	sadd.s32 $0x11200, s6;
	s8 =	ssub.s32 s8, s9;
	s4 =	sadd.s32 s4, s5  }
0xc: {  	vm0 =	vmmov $0xffff;
	v1 =	vshrl.u32 v2, $0x3;
	s5 =	sadd.s32 $0x11300, s6;
	s9 =	simm.s32 $0x2;
	s7 =	sadd.s32 s7, s6  }
0xd: {  	v0 =	vand.u32 $0x7, v2;
	v2 =	vor.u32 $0x8, v2;
	v1 =	vmul.u32 $0x8, v1;
	s8 =	smax.u32 s8, $0x1;
	s6 =	sadd.s32 $0x11400, s6;
	s7 =	sadd.s32 $0x26200, s7  }
.LBB2_1:
0xe: {  	[tilespmem:s2], [sflag:$0x2] =	stream.linear.gather [hbm4b:s4+s2], $0x20, $0x38;
	[tilespmem:$0x6080] =	vst v63  }
0xf: {  	_ =	swait.ge [sflag:s9], $0x20  }
0x10: {  	[sflag:s9] =	ssyncset.done $0x0  }
0x11: {  	[sflag:s9] =	ssyncadd.s32 $0xFFFFFFE0  }
0x12: {  	v3 =	vld [tilespmem:$0x0];
	_ =	sdelay $0x4  }
0x13: {  	v4 =	vshrl.u32 v3, $0x3  }
0x14: {  	v4 =	vmul.u32 $0x30, v4  }
0x15: {  	v3 =	vand.u32 $0x7, v3  }
0x16: {  	v3 =	vor.u32 v3, v4  }
0x17: {  	v4 =	vperm.xlane v3, v0;
	_ =	sdelay $0x1  }
0x18: {  	v4 =	vadd.s32 v1, v4;
	_ =	sdelay $0x3  }
0x19: {  	v3 =	vperm.xlane v3, v2  }
0x1a: {  	[tilespmem:s10], [sflag:$0x1] =	stream.indirect_vreg.gather [hbm4b:s3+s2], $0x80, v4, vm0, $0xb8;
	[tilespmem:$0x6080] =	vst v63  }
0x1b: {  	v3 =	vadd.s32 v1, v3  }
0x1c: {  	[tilespmem:s11], [sflag:$0x1] =	stream.indirect_vreg.gather [hbm4b:s5+s2], $0x80, v4, vm0, $0xb8;
	[tilespmem:$0x6080] =	vst v63  }
0x1d: {  	_ = 	snop  }
0x1e: {  	[tilespmem:s12], [sflag:$0x1] =	stream.indirect_vreg.gather [hbm4b:s6+s2], $0x80, v4, vm0, $0xb8;
	[tilespmem:$0x6080] =	vst v63  }
0x1f: {  	_ = 	snop  }
0x20: {  	[tilespmem:s13], [sflag:$0x1] =	stream.indirect_vreg.gather [hbm4b:s3+s2], $0x80, v3, vm0, $0xb8;
	[tilespmem:$0x6080] =	vst v63  }
0x21: {  	_ = 	snop  }
0x22: {  	[tilespmem:s14], [sflag:$0x1] =	stream.indirect_vreg.gather [hbm4b:s5+s2], $0x80, v3, vm0, $0xb8;
	[tilespmem:$0x6080] =	vst v63  }
0x23: {  	_ = 	snop  }
0x24: {  	[tilespmem:s15], [sflag:$0x1] =	stream.indirect_vreg.gather [hbm4b:s6+s2], $0x80, v3, vm0, $0xb8;
	[tilespmem:$0x6080] =	vst v63  }
0x25: {  	v3 =	vld [tilespmem:$0x10];
	_ =	sdelay $0x4  }
0x26: {  	v63 =	vshrl.u32 v3, $0x3  }
0x27: {  	v4 =	vmul.u32 $0x30, v63  }
0x28: {  	v3 =	vand.u32 $0x7, v3  }
0x29: {  	v3 =	vor.u32 v3, v4  }
0x2a: {  	v4 =	vperm.xlane v3, v0;
	_ =	sdelay $0x1  }
0x2b: {  	v4 =	vadd.s32 v1, v4;
	_ =	sdelay $0x3  }
0x2c: {  	v3 =	vperm.xlane v3, v2  }
0x2d: {  	[tilespmem:s16], [sflag:$0x1] =	stream.indirect_vreg.gather [hbm4b:s3+s2], $0x80, v4, vm0, $0xb8;
	[tilespmem:$0x6080] =	vst v63  }
0x2e: {  	v3 =	vadd.s32 v1, v3  }
0x2f: {  	[tilespmem:s17], [sflag:$0x1] =	stream.indirect_vreg.gather [hbm4b:s5+s2], $0x80, v4, vm0, $0xb8;
	[tilespmem:$0x6080] =	vst v63  }
0x30: {  	_ = 	snop  }
0x31: {  	[tilespmem:s18], [sflag:$0x1] =	stream.indirect_vreg.gather [hbm4b:s6+s2], $0x80, v4, vm0, $0xb8;
	[tilespmem:$0x6080] =	vst v63  }
0x32: {  	_ = 	snop  }
0x33: {  	[tilespmem:s19], [sflag:$0x1] =	stream.indirect_vreg.gather [hbm4b:s3+s2], $0x80, v3, vm0, $0xb8;
	[tilespmem:$0x6080] =	vst v63  }
0x34: {  	_ = 	snop  }
0x35: {  	[tilespmem:s20], [sflag:$0x1] =	stream.indirect_vreg.gather [hbm4b:s5+s2], $0x80, v3, vm0, $0xb8;
	[tilespmem:$0x6080] =	vst v63  }
0x36: {  	_ = 	snop  }
0x37: {  	[tilespmem:s21], [sflag:$0x1] =	stream.indirect_vreg.gather [hbm4b:s6+s2], $0x80, v3, vm0, $0xb8;
	[tilespmem:$0x6080] =	vst v63  }
0x38: {  	_ =	swait.ge [sflag:s22], $0x6000  }
0x39: {  	p0 =	sne.s32 s8, $0x1;
	[sflag:s22] =	ssyncset.done $0x0  }
.Ltmp0:
0x3a: {  	[sflag:s22] =	ssyncadd.s32 $0xFFFFA000;
	(pc) =	sbr.rel @p0 .LBB2_1-.Ltmp0, $4  }
0x3b: {  	[hbm4b:s7+s2] =	stream.linear.scatter [tilespmem:s10], [sflag:$0x2], $0x6000, $0x38;
	[tilespmem:$0x6080] =	vst v63  }
0x3c: {  	_ =	swait.ge [sflag:s9], $0x6000  }
0x3d: {  	[sflag:s9] =	ssyncset.done $0x0  }
0x3e: {  	s8 =	sadd.s32 $0xFFFFFFFF, s8;
	[sflag:s9] =	ssyncadd.s32 $0xFFFFA000  }
0x3f: {  	_ =	sfence.sel $0x180000  }
0x40: {  	[bflag:$0x0] =	sbarrier.arrive $0xFFFF  }
0x41: {  	p0 =	sne.s32 s0, $0x0;
	_ =	strace $0x9000004A  }
0x42: {  	s0 =	sadd.s32 @!p0 $0x100000, s1;
	[bflag:$0x2] =	sbarrier.arrive $0xFFFF  }
0x43: {  	[sflag:s0] =	ssyncadd.tile.s32 @!p0 $0x1;
	_ =	shalt  }
.Lfunc_end2:
_tile_overlayer_lowered:
.L_overlay_start_2:
0x44: {  	(tag) =	ssettag $0x2  }
0x45: {  	s0 =	rddreg [dreg:$0x0];
	s2 =	stileid.u32  }
0x46: {  	s1 =	rddreg [dreg:$0x1];
	p0 =	sne.s32 s2, $0x0  }
0x47: {  	s3 =	rddreg [dreg:$0x2];
	[bflag:$0x3] =	sbarrier.arrive $0xFFFF;
	s2 =	simm.s32 @!p0 $0x1C02  }
0x48: {  	[timem:s3], [sflag:s2] =	dma.local @!p0 [hbm:s0], s1  }
0x49: {  	s0 =	simm.s32 @!p0 $0x2  }
0x4a: {  	_ =	swait.ge @!p0 [sflag:s0], s1  }
0x4b: {  	s1 =	ssub.s32 @!p0 $0x0, s1;
	[sflag:s0] =	ssyncset.done @!p0 $0x0  }
0x4c: {  	[sflag:s0] =	ssyncadd.s32 @!p0 s1  }
0x4d: {  	[bflag:$0x3] =	sbarrier.arrive $0xFFFF  }
0x4e: {  	_ =	shalt  }

</sc_bundles>
